<compile_context>
chip_gen: v7x
topology: tpu7x:2x2x1
jax: 0.10.2.dev20260603
libtpu: 0.0.44.dev20260713+nightly
codegen_flags: <defaults>
</compile_context>

<pallas_src>
import functools

import jax
import jax.numpy as jnp
from jax import lax
from jax.experimental import pallas as pl
from jax.experimental.pallas import tpu as pltpu
from jax.experimental.pallas import tpu_sc as plsc

EMBED_DIM = 64
BATCH = 4096
HIST = 200
B_TOTAL = BATCH * HIST
VOCAB1 = 1000001
REPACK_W = 4096
XPOSE_W = 512
REPACK_GRID = 245
Y_ROWS = REPACK_GRID * REPACK_W

_info = plsc.get_sparse_core_info()
NUM_CORES = _info.num_cores
NUM_SUBCORES = _info.num_subcores
NW = NUM_CORES * NUM_SUBCORES

CHUNK = 256
STEPS = B_TOTAL // (NW * CHUNK)

_mesh = plsc.VectorSubcoreMesh(core_axis_name="c", subcore_axis_name="s")


def _repack_body(tt_ref, y_ref):
  v = tt_ref[...]
  parts = []
  for k in range(REPACK_W // XPOSE_W):
    sl = lax.slice(v, (0, k * XPOSE_W), (EMBED_DIM, (k + 1) * XPOSE_W))
    parts.append(jnp.transpose(sl, (1, 0)))
  t = jnp.concatenate(parts, axis=0)
  y_ref[...] = jnp.concatenate([t, t], axis=1)


_repack = pl.pallas_call(
    _repack_body,
    out_shape=jax.ShapeDtypeStruct((Y_ROWS, 2 * EMBED_DIM), jnp.float32),
    grid=(REPACK_GRID,),
    in_specs=[pl.BlockSpec((EMBED_DIM, REPACK_W), lambda j: (0, j))],
    out_specs=pl.BlockSpec((REPACK_W, 2 * EMBED_DIM), lambda j: (j, 0)),
    compiler_params=pltpu.CompilerParams(
        dimension_semantics=("parallel",),
    ),
)


@functools.partial(
    pl.kernel,
    mesh=_mesh,
    out_type=jax.ShapeDtypeStruct((B_TOTAL, EMBED_DIM), jnp.float32),
    scratch_types=[
        pltpu.VMEM((CHUNK,), jnp.int32),
        pltpu.VMEM((CHUNK,), jnp.int32),
        pltpu.VMEM((CHUNK, 2 * EMBED_DIM), jnp.float32),
        pltpu.VMEM((CHUNK, 2 * EMBED_DIM), jnp.float32),
        pltpu.VMEM((CHUNK, EMBED_DIM), jnp.float32),
        pltpu.SemaphoreType.DMA,
        pltpu.SemaphoreType.DMA,
    ],
)
def _gather(y_hbm, idx_hbm, out_hbm,
            idx0_v, idx1_v, rows0_v, rows1_v, sel_v, sem0, sem1):
  wid = lax.axis_index("s") * NUM_CORES + lax.axis_index("c")
  base = wid * (STEPS * CHUNK)

  idx_bufs = (idx0_v, idx1_v)
  rows_bufs = (rows0_v, rows1_v)
  sems = (sem0, sem1)

  def select(rows_v):
    def body(k4, carry):
      for u in range(4):
        k = k4 * 4 + u
        for d0 in range(0, EMBED_DIM, 16):
          sel_v[k, pl.ds(d0, 16)] = rows_v[k, pl.ds(d0, 16)]
      return carry

    lax.fori_loop(0, CHUNK // 4, body, 0)

  pltpu.sync_copy(idx_hbm.at[pl.ds(base, CHUNK)], idx_bufs[0])
  pltpu.async_copy(y_hbm.at[idx_bufs[0]], rows_bufs[0], sems[0])

  def chunk(t, carry):
    cur = lax.rem(t, 2)
    nxt = 1 - cur

    @pl.when(t + 1 < STEPS)
    def _():
      for b in range(2):
        @pl.when(nxt == b)
        def _():
          pltpu.sync_copy(idx_hbm.at[pl.ds(base + (t + 1) * CHUNK, CHUNK)],
                          idx_bufs[b])
          pltpu.async_copy(y_hbm.at[idx_bufs[b]], rows_bufs[b], sems[b])

    for b in range(2):
      @pl.when(cur == b)
      def _():
        pltpu.make_async_copy(y_hbm.at[idx_bufs[b]], rows_bufs[b],
                              sems[b]).wait()
        select(rows_bufs[b])
    pltpu.sync_copy(sel_v, out_hbm.at[pl.ds(base + t * CHUNK, CHUNK), :])
    return carry

  lax.fori_loop(0, STEPS, chunk, 0)


def kernel(x, table):
  y = _repack(table.T)
  idx = x.reshape(-1).astype(jnp.int32)
  out = _gather(y, idx)
  return out.reshape(x.shape + (EMBED_DIM,))

# --- scband reference (transcript-rebuilt; emitter-appended) ---
"""Pipeline reference for scband-embedding-layer-20916490731584 (READ-ONLY COPY).

The authoritative reference and input builder live on the scoring server;
editing this copy changes nothing except your own understanding.
"""

import jax, jax.numpy as jnp
import numpy as np

VOCAB_SIZE = 1000000
EMBED_DIM = 64
BATCH = 4096
HIST = 200

def setup_inputs(seed: int = 0) -> dict:
    key = jax.random.key(seed)
    k_idx, k_tab = jax.random.split(key)
    x = jax.random.randint(k_idx, (BATCH, HIST), 0, VOCAB_SIZE, dtype=jnp.int64) if jax.config.read('jax_enable_x64') else jax.random.randint(k_idx, (BATCH, HIST), 0, VOCAB_SIZE, dtype=jnp.int32)
    table = jax.random.normal(k_tab, (VOCAB_SIZE + 1, EMBED_DIM), dtype=jnp.float32)
    return {"x": x, "table": table}

def reference(x, table):
    # nn.Embedding lookup: table[x]
    out = jnp.take(table, x, axis=0)
    # Dropout in inference mode is identity (p=0.25 at train time only)
    return out

if __name__ == "__main__":
    import jax
    _d = setup_inputs()
    print(jax.jit(kernel)(*tuple(_d.values())))

</pallas_src>

<mosaic_0001>
#map = affine_map<(d0, d1) -> (0, 0)>
#map1 = affine_map<(d0, d1) -> (0)>
module attributes {stable_mosaic.version = 14 : i64} {
  func.func @_gather(%arg0: i32, %arg1: i32, %arg2: memref<1003520x128xf32, #tpu.memory_space<hbm>>, %arg3: memref<819200xi32, #tpu.memory_space<hbm>>, %arg4: memref<819200x64xf32, #tpu.memory_space<hbm>>, %arg5: memref<256xi32, #tpu.memory_space<vmem>>, %arg6: memref<256xi32, #tpu.memory_space<vmem>>, %arg7: memref<256x128xf32, #tpu.memory_space<vmem>>, %arg8: memref<256x128xf32, #tpu.memory_space<vmem>>, %arg9: memref<256x64xf32, #tpu.memory_space<vmem>>, %arg10: memref<!tpu.dma_semaphore, #tpu.memory_space<semaphore_mem>>, %arg11: memref<!tpu.dma_semaphore, #tpu.memory_space<semaphore_mem>>) attributes {dimension_semantics = [#tpu.dimension_semantics<core_parallel>, #tpu.dimension_semantics<subcore_parallel>], iteration_bounds = array<i64: 2, 16>, scalar_prefetch = 0 : i64, scratch_operands = 7 : i64, tpu.core_type = #tpu.core_type<sc_vector_subcore>, window_params = [{transform_indices = #map}, {transform_indices = #map1}, {transform_indices = #map}]} {
    %mul3A = arith.constant 2 : i32
    %mul3A_0 = arith.muli %arg1, %mul3A : i32
    %add3A = arith.addi %mul3A_0, %arg0 : i32
    %mul3A_1 = arith.constant 25600 : i32
    %mul3A_2 = arith.muli %add3A, %mul3A_1 : i32
    "tpu.region"() ({
      %run_scoped3A = tpu.sem_alloc : memref<!tpu.dma_semaphore, #tpu.memory_space<semaphore_mem>>
      %dma_start3A_10 = tpu.memref_slice %arg3[%mul3A_2] : memref<819200xi32, #tpu.memory_space<hbm>> -> memref<256xi32, #tpu.memory_space<hbm>>
      %dma_start3A_11 = tpu.memref_slice %arg3[%mul3A_2] : memref<819200xi32, #tpu.memory_space<hbm>> -> memref<256xi32, #tpu.memory_space<hbm>>
      tpu.enqueue_dma source(%dma_start3A_11 : memref<256xi32, #tpu.memory_space<hbm>>) target(%arg5 : memref<256xi32, #tpu.memory_space<vmem>>) target_semaphore(%run_scoped3A : memref<!tpu.dma_semaphore, #tpu.memory_space<semaphore_mem>>)
      %dma_wait3A = tpu.memref_slice %arg3[%mul3A_2] : memref<819200xi32, #tpu.memory_space<hbm>> -> memref<256xi32, #tpu.memory_space<hbm>>
      %dma_wait3A_12 = tpu.memref_slice %arg3[%mul3A_2] : memref<819200xi32, #tpu.memory_space<hbm>> -> memref<256xi32, #tpu.memory_space<hbm>>
      tpu.wait_dma2 semaphore(%run_scoped3A : memref<!tpu.dma_semaphore, #tpu.memory_space<semaphore_mem>>) src(%dma_wait3A_12 : memref<256xi32, #tpu.memory_space<hbm>>) dst(%arg5 : memref<256xi32, #tpu.memory_space<vmem>>)
      tpu.yield
    }) : () -> ()
    %dma_start3A = arith.constant 0 : i32
    %dma_start3A_3 = arith.constant 0 : i32
    %dma_start3A_4 = tpu.memref_slice %arg2[%dma_start3A, %dma_start3A_3] : memref<1003520x128xf32, #tpu.memory_space<hbm>> -> memref<1003520x128xf32, #tpu.memory_space<hbm>>
    tpu.enqueue_indirect_dma source(%dma_start3A_4 : memref<1003520x128xf32, #tpu.memory_space<hbm>>) target(%arg7 : memref<256x128xf32, #tpu.memory_space<vmem>>) offsets(%arg5 : memref<256xi32, #tpu.memory_space<vmem>>) semaphore(%arg10 : memref<!tpu.dma_semaphore, #tpu.memory_space<semaphore_mem>>)
    %scan3A = arith.constant 0 : i32
    %scan3A_5 = arith.constant 0 : i32
    %scan3A_6 = arith.constant 100 : i32
    %scan3A_7 = arith.addi %scan3A_5, %scan3A_6 : i32
    %scan3A_8 = arith.constant 1 : i32
    scf.for %scan3A_10 = %scan3A_5 to %scan3A_7 step %scan3A_8  : i32 {
      %rem3A = arith.constant 2 : i32
      %rem3A_11 = arith.remsi %scan3A_10, %rem3A : i32
      %sub3A = arith.constant 1 : i32
      %sub3A_12 = arith.subi %sub3A, %rem3A_11 : i32
      %add3A_13 = arith.constant 1 : i32
      %add3A_14 = arith.addi %scan3A_10, %add3A_13 : i32
      %lt3A = arith.constant 100 : i32
      %lt3A_15 = arith.cmpi slt, %add3A_14, %lt3A : i32
      %convert_element_type3A = arith.extui %lt3A_15 : i1 to i32
      %cond3A = arith.constant 0 : i32
      %cond3A_16 = arith.cmpi ne, %convert_element_type3A, %cond3A : i32
      scf.if %cond3A_16 {
        %eq3A_29 = arith.constant 0 : i32
        %eq3A_30 = arith.cmpi eq, %sub3A_12, %eq3A_29 : i32
        %convert_element_type3A_31 = arith.extui %eq3A_30 : i1 to i32
        %cond3A_32 = arith.constant 0 : i32
        %cond3A_33 = arith.cmpi ne, %convert_element_type3A_31, %cond3A_32 : i32
        scf.if %cond3A_33 {
          %add3A_39 = arith.constant 1 : i32
          %add3A_40 = arith.addi %scan3A_10, %add3A_39 : i32
          %mul3A_41 = arith.constant 256 : i32
          %mul3A_42 = arith.muli %add3A_40, %mul3A_41 : i32
          %add3A_43 = arith.addi %mul3A_2, %mul3A_42 : i32
          "tpu.region"() ({
            %run_scoped3A = tpu.sem_alloc : memref<!tpu.dma_semaphore, #tpu.memory_space<semaphore_mem>>
            %dma_start3A_47 = tpu.memref_slice %arg3[%add3A_43] : memref<819200xi32, #tpu.memory_space<hbm>> -> memref<256xi32, #tpu.memory_space<hbm>>
            %dma_start3A_48 = tpu.memref_slice %arg3[%add3A_43] : memref<819200xi32, #tpu.memory_space<hbm>> -> memref<256xi32, #tpu.memory_space<hbm>>
            tpu.enqueue_dma source(%dma_start3A_48 : memref<256xi32, #tpu.memory_space<hbm>>) target(%arg5 : memref<256xi32, #tpu.memory_space<vmem>>) target_semaphore(%run_scoped3A : memref<!tpu.dma_semaphore, #tpu.memory_space<semaphore_mem>>)
            %dma_wait3A = tpu.memref_slice %arg3[%add3A_43] : memref<819200xi32, #tpu.memory_space<hbm>> -> memref<256xi32, #tpu.memory_space<hbm>>
            %dma_wait3A_49 = tpu.memref_slice %arg3[%add3A_43] : memref<819200xi32, #tpu.memory_space<hbm>> -> memref<256xi32, #tpu.memory_space<hbm>>
            tpu.wait_dma2 semaphore(%run_scoped3A : memref<!tpu.dma_semaphore, #tpu.memory_space<semaphore_mem>>) src(%dma_wait3A_49 : memref<256xi32, #tpu.memory_space<hbm>>) dst(%arg5 : memref<256xi32, #tpu.memory_space<vmem>>)
            tpu.yield
          }) : () -> ()
          %dma_start3A_44 = arith.constant 0 : i32
          %dma_start3A_45 = arith.constant 0 : i32
          %dma_start3A_46 = tpu.memref_slice %arg2[%dma_start3A_44, %dma_start3A_45] : memref<1003520x128xf32, #tpu.memory_space<hbm>> -> memref<1003520x128xf32, #tpu.memory_space<hbm>>
          tpu.enqueue_indirect_dma source(%dma_start3A_46 : memref<1003520x128xf32, #tpu.memory_space<hbm>>) target(%arg7 : memref<256x128xf32, #tpu.memory_space<vmem>>) offsets(%arg5 : memref<256xi32, #tpu.memory_space<vmem>>) semaphore(%arg10 : memref<!tpu.dma_semaphore, #tpu.memory_space<semaphore_mem>>)
        } else {
        }
        %eq3A_34 = arith.constant 1 : i32
        %eq3A_35 = arith.cmpi eq, %sub3A_12, %eq3A_34 : i32
        %convert_element_type3A_36 = arith.extui %eq3A_35 : i1 to i32
        %cond3A_37 = arith.constant 0 : i32
        %cond3A_38 = arith.cmpi ne, %convert_element_type3A_36, %cond3A_37 : i32
        scf.if %cond3A_38 {
          %add3A_39 = arith.constant 1 : i32
          %add3A_40 = arith.addi %scan3A_10, %add3A_39 : i32
          %mul3A_41 = arith.constant 256 : i32
          %mul3A_42 = arith.muli %add3A_40, %mul3A_41 : i32
          %add3A_43 = arith.addi %mul3A_2, %mul3A_42 : i32
          "tpu.region"() ({
            %run_scoped3A = tpu.sem_alloc : memref<!tpu.dma_semaphore, #tpu.memory_space<semaphore_mem>>
            %dma_start3A_47 = tpu.memref_slice %arg3[%add3A_43] : memref<819200xi32, #tpu.memory_space<hbm>> -> memref<256xi32, #tpu.memory_space<hbm>>
            %dma_start3A_48 = tpu.memref_slice %arg3[%add3A_43] : memref<819200xi32, #tpu.memory_space<hbm>> -> memref<256xi32, #tpu.memory_space<hbm>>
            tpu.enqueue_dma source(%dma_start3A_48 : memref<256xi32, #tpu.memory_space<hbm>>) target(%arg6 : memref<256xi32, #tpu.memory_space<vmem>>) target_semaphore(%run_scoped3A : memref<!tpu.dma_semaphore, #tpu.memory_space<semaphore_mem>>)
            %dma_wait3A = tpu.memref_slice %arg3[%add3A_43] : memref<819200xi32, #tpu.memory_space<hbm>> -> memref<256xi32, #tpu.memory_space<hbm>>
            %dma_wait3A_49 = tpu.memref_slice %arg3[%add3A_43] : memref<819200xi32, #tpu.memory_space<hbm>> -> memref<256xi32, #tpu.memory_space<hbm>>
            tpu.wait_dma2 semaphore(%run_scoped3A : memref<!tpu.dma_semaphore, #tpu.memory_space<semaphore_mem>>) src(%dma_wait3A_49 : memref<256xi32, #tpu.memory_space<hbm>>) dst(%arg6 : memref<256xi32, #tpu.memory_space<vmem>>)
            tpu.yield
          }) : () -> ()
          %dma_start3A_44 = arith.constant 0 : i32
          %dma_start3A_45 = arith.constant 0 : i32
          %dma_start3A_46 = tpu.memref_slice %arg2[%dma_start3A_44, %dma_start3A_45] : memref<1003520x128xf32, #tpu.memory_space<hbm>> -> memref<1003520x128xf32, #tpu.memory_space<hbm>>
          tpu.enqueue_indirect_dma source(%dma_start3A_46 : memref<1003520x128xf32, #tpu.memory_space<hbm>>) target(%arg8 : memref<256x128xf32, #tpu.memory_space<vmem>>) offsets(%arg6 : memref<256xi32, #tpu.memory_space<vmem>>) semaphore(%arg11 : memref<!tpu.dma_semaphore, #tpu.memory_space<semaphore_mem>>)
        } else {
        }
      } else {
      }
      %eq3A = arith.constant 0 : i32
      %eq3A_17 = arith.cmpi eq, %rem3A_11, %eq3A : i32
      %convert_element_type3A_18 = arith.extui %eq3A_17 : i1 to i32
      %cond3A_19 = arith.constant 0 : i32
      %cond3A_20 = arith.cmpi ne, %convert_element_type3A_18, %cond3A_19 : i32
      scf.if %cond3A_20 {
        %dma_wait3A = arith.constant 0 : i32
        %dma_wait3A_29 = arith.constant 0 : i32
        %dma_wait3A_30 = tpu.memref_slice %arg2[%dma_wait3A, %dma_wait3A_29] : memref<1003520x128xf32, #tpu.memory_space<hbm>> -> memref<1003520x128xf32, #tpu.memory_space<hbm>>
        tpu.wait_indirect_dma semaphore(%arg10 : memref<!tpu.dma_semaphore, #tpu.memory_space<semaphore_mem>>) src(%dma_wait3A_30 : memref<1003520x128xf32, #tpu.memory_space<hbm>>) dst(%arg7 : memref<256x128xf32, #tpu.memory_space<vmem>>)
        %scan3A_31 = arith.constant 0 : i32
        %scan3A_32 = arith.constant 0 : i32
        %scan3A_33 = arith.constant 64 : i32
        %scan3A_34 = arith.addi %scan3A_32, %scan3A_33 : i32
        %scan3A_35 = arith.constant 1 : i32
        scf.for %scan3A_37 = %scan3A_32 to %scan3A_34 step %scan3A_35  : i32 {
          %mul3A_38 = arith.constant 4 : i32
          %mul3A_39 = arith.muli %scan3A_37, %mul3A_38 : i32
          %add3A_40 = arith.constant 0 : i32
          %add3A_41 = arith.addi %mul3A_39, %add3A_40 : i32
          %get3A = arith.index_cast %add3A_41 : i32 to index
          %get3A_42 = arith.constant 0 : index
          %get3A_43 = tpu.vector_load %arg7[%get3A, %get3A_42] {strides = array<i32>} : memref<256x128xf32, #tpu.memory_space<vmem>>, vector<1x16xf32>,
          %get3A_44 = vector.shape_cast %get3A_43 : vector<1x16xf32> to vector<16xf32>
          %swap3A = arith.index_cast %add3A_41 : i32 to index
          %swap3A_45 = arith.constant 0 : index
          %swap3A_46 = tpu.vector_load %arg9[%swap3A, %swap3A_45] {strides = array<i32>} : memref<256x64xf32, #tpu.memory_space<vmem>>, vector<1x16xf32>,
          %swap3A_47 = vector.shape_cast %swap3A_46 : vector<1x16xf32> to vector<16xf32>
          %swap3A_48 = vector.shape_cast %get3A_44 : vector<16xf32> to vector<1x16xf32>
          tpu.vector_store %arg9[%swap3A, %swap3A_45], %swap3A_48 {strides = array<i32>} : memref<256x64xf32, #tpu.memory_space<vmem>>, vector<1x16xf32>,
          %get3A_49 = arith.index_cast %add3A_41 : i32 to index
          %get3A_50 = arith.constant 16 : index
          %get3A_51 = tpu.vector_load %arg7[%get3A_49, %get3A_50] {strides = array<i32>} : memref<256x128xf32, #tpu.memory_space<vmem>>, vector<1x16xf32>,
          %get3A_52 = vector.shape_cast %get3A_51 : vector<1x16xf32> to vector<16xf32>
          %swap3A_53 = arith.index_cast %add3A_41 : i32 to index
          %swap3A_54 = arith.constant 16 : index
          %swap3A_55 = tpu.vector_load %arg9[%swap3A_53, %swap3A_54] {strides = array<i32>} : memref<256x64xf32, #tpu.memory_space<vmem>>, vector<1x16xf32>,
          %swap3A_56 = vector.shape_cast %swap3A_55 : vector<1x16xf32> to vector<16xf32>
          %swap3A_57 = vector.shape_cast %get3A_52 : vector<16xf32> to vector<1x16xf32>
          tpu.vector_store %arg9[%swap3A_53, %swap3A_54], %swap3A_57 {strides = array<i32>} : memref<256x64xf32, #tpu.memory_space<vmem>>, vector<1x16xf32>,
          %get3A_58 = arith.index_cast %add3A_41 : i32 to index
          %get3A_59 = arith.constant 32 : index
          %get3A_60 = tpu.vector_load %arg7[%get3A_58, %get3A_59] {strides = array<i32>} : memref<256x128xf32, #tpu.memory_space<vmem>>, vector<1x16xf32>,
          %get3A_61 = vector.shape_cast %get3A_60 : vector<1x16xf32> to vector<16xf32>
          %swap3A_62 = arith.index_cast %add3A_41 : i32 to index
          %swap3A_63 = arith.constant 32 : index
          %swap3A_64 = tpu.vector_load %arg9[%swap3A_62, %swap3A_63] {strides = array<i32>} : memref<256x64xf32, #tpu.memory_space<vmem>>, vector<1x16xf32>,
          %swap3A_65 = vector.shape_cast %swap3A_64 : vector<1x16xf32> to vector<16xf32>
          %swap3A_66 = vector.shape_cast %get3A_61 : vector<16xf32> to vector<1x16xf32>
          tpu.vector_store %arg9[%swap3A_62, %swap3A_63], %swap3A_66 {strides = array<i32>} : memref<256x64xf32, #tpu.memory_space<vmem>>, vector<1x16xf32>,
          %get3A_67 = arith.index_cast %add3A_41 : i32 to index
          %get3A_68 = arith.constant 48 : index
          %get3A_69 = tpu.vector_load %arg7[%get3A_67, %get3A_68] {strides = array<i32>} : memref<256x128xf32, #tpu.memory_space<vmem>>, vector<1x16xf32>,
          %get3A_70 = vector.shape_cast %get3A_69 : vector<1x16xf32> to vector<16xf32>
          %swap3A_71 = arith.index_cast %add3A_41 : i32 to index
          %swap3A_72 = arith.constant 48 : index
          %swap3A_73 = tpu.vector_load %arg9[%swap3A_71, %swap3A_72] {strides = array<i32>} : memref<256x64xf32, #tpu.memory_space<vmem>>, vector<1x16xf32>,
          %swap3A_74 = vector.shape_cast %swap3A_73 : vector<1x16xf32> to vector<16xf32>
          %swap3A_75 = vector.shape_cast %get3A_70 : vector<16xf32> to vector<1x16xf32>
          tpu.vector_store %arg9[%swap3A_71, %swap3A_72], %swap3A_75 {strides = array<i32>} : memref<256x64xf32, #tpu.memory_space<vmem>>, vector<1x16xf32>,
          %mul3A_76 = arith.constant 4 : i32
          %mul3A_77 = arith.muli %scan3A_37, %mul3A_76 : i32
          %add3A_78 = arith.constant 1 : i32
          %add3A_79 = arith.addi %mul3A_77, %add3A_78 : i32
          %get3A_80 = arith.index_cast %add3A_79 : i32 to index
          %get3A_81 = arith.constant 0 : index
          %get3A_82 = tpu.vector_load %arg7[%get3A_80, %get3A_81] {strides = array<i32>} : memref<256x128xf32, #tpu.memory_space<vmem>>, vector<1x16xf32>,
          %get3A_83 = vector.shape_cast %get3A_82 : vector<1x16xf32> to vector<16xf32>
          %swap3A_84 = arith.index_cast %add3A_79 : i32 to index
          %swap3A_85 = arith.constant 0 : index
          %swap3A_86 = tpu.vector_load %arg9[%swap3A_84, %swap3A_85] {strides = array<i32>} : memref<256x64xf32, #tpu.memory_space<vmem>>, vector<1x16xf32>,
          %swap3A_87 = vector.shape_cast %swap3A_86 : vector<1x16xf32> to vector<16xf32>
          %swap3A_88 = vector.shape_cast %get3A_83 : vector<16xf32> to vector<1x16xf32>
          tpu.vector_store %arg9[%swap3A_84, %swap3A_85], %swap3A_88 {strides = array<i32>} : memref<256x64xf32, #tpu.memory_space<vmem>>, vector<1x16xf32>,
          %get3A_89 = arith.index_cast %add3A_79 : i32 to index
          %get3A_90 = arith.constant 16 : index
          %get3A_91 = tpu.vector_load %arg7[%get3A_89, %get3A_90] {strides = array<i32>} : memref<256x128xf32, #tpu.memory_space<vmem>>, vector<1x16xf32>,
          %get3A_92 = vector.shape_cast %get3A_91 : vector<1x16xf32> to vector<16xf32>
          %swap3A_93 = arith.index_cast %add3A_79 : i32 to index
          %swap3A_94 = arith.constant 16 : index
          %swap3A_95 = tpu.vector_load %arg9[%swap3A_93, %swap3A_94] {strides = array<i32>} : memref<256x64xf32, #tpu.memory_space<vmem>>, vector<1x16xf32>,
          %swap3A_96 = vector.shape_cast %swap3A_95 : vector<1x16xf32> to vector<16xf32>
          %swap3A_97 = vector.shape_cast %get3A_92 : vector<16xf32> to vector<1x16xf32>
          tpu.vector_store %arg9[%swap3A_93, %swap3A_94], %swap3A_97 {strides = array<i32>} : memref<256x64xf32, #tpu.memory_space<vmem>>, vector<1x16xf32>,
          %get3A_98 = arith.index_cast %add3A_79 : i32 to index
          %get3A_99 = arith.constant 32 : index
          %get3A_100 = tpu.vector_load %arg7[%get3A_98, %get3A_99] {strides = array<i32>} : memref<256x128xf32, #tpu.memory_space<vmem>>, vector<1x16xf32>,
          %get3A_101 = vector.shape_cast %get3A_100 : vector<1x16xf32> to vector<16xf32>
          %swap3A_102 = arith.index_cast %add3A_79 : i32 to index
          %swap3A_103 = arith.constant 32 : index
          %swap3A_104 = tpu.vector_load %arg9[%swap3A_102, %swap3A_103] {strides = array<i32>} : memref<256x64xf32, #tpu.memory_space<vmem>>, vector<1x16xf32>,
          %swap3A_105 = vector.shape_cast %swap3A_104 : vector<1x16xf32> to vector<16xf32>
          %swap3A_106 = vector.shape_cast %get3A_101 : vector<16xf32> to vector<1x16xf32>
          tpu.vector_store %arg9[%swap3A_102, %swap3A_103], %swap3A_106 {strides = array<i32>} : memref<256x64xf32, #tpu.memory_space<vmem>>, vector<1x16xf32>,
          %get3A_107 = arith.index_cast %add3A_79 : i32 to index
          %get3A_108 = arith.constant 48 : index
          %get3A_109 = tpu.vector_load %arg7[%get3A_107, %get3A_108] {strides = array<i32>} : memref<256x128xf32, #tpu.memory_space<vmem>>, vector<1x16xf32>,
          %get3A_110 = vector.shape_cast %get3A_109 : vector<1x16xf32> to vector<16xf32>
          %swap3A_111 = arith.index_cast %add3A_79 : i32 to index
          %swap3A_112 = arith.constant 48 : index
          %swap3A_113 = tpu.vector_load %arg9[%swap3A_111, %swap3A_112] {strides = array<i32>} : memref<256x64xf32, #tpu.memory_space<vmem>>, vector<1x16xf32>,
          %swap3A_114 = vector.shape_cast %swap3A_113 : vector<1x16xf32> to vector<16xf32>
          %swap3A_115 = vector.shape_cast %get3A_110 : vector<16xf32> to vector<1x16xf32>
          tpu.vector_store %arg9[%swap3A_111, %swap3A_112], %swap3A_115 {strides = array<i32>} : memref<256x64xf32, #tpu.memory_space<vmem>>, vector<1x16xf32>,
          %mul3A_116 = arith.constant 4 : i32
          %mul3A_117 = arith.muli %scan3A_37, %mul3A_116 : i32
          %add3A_118 = arith.constant 2 : i32
          %add3A_119 = arith.addi %mul3A_117, %add3A_118 : i32
          %get3A_120 = arith.index_cast %add3A_119 : i32 to index
          %get3A_121 = arith.constant 0 : index
          %get3A_122 = tpu.vector_load %arg7[%get3A_120, %get3A_121] {strides = array<i32>} : memref<256x128xf32, #tpu.memory_space<vmem>>, vector<1x16xf32>,
          %get3A_123 = vector.shape_cast %get3A_122 : vector<1x16xf32> to vector<16xf32>
          %swap3A_124 = arith.index_cast %add3A_119 : i32 to index
          %swap3A_125 = arith.constant 0 : index
          %swap3A_126 = tpu.vector_load %arg9[%swap3A_124, %swap3A_125] {strides = array<i32>} : memref<256x64xf32, #tpu.memory_space<vmem>>, vector<1x16xf32>,
          %swap3A_127 = vector.shape_cast %swap3A_126 : vector<1x16xf32> to vector<16xf32>
          %swap3A_128 = vector.shape_cast %get3A_123 : vector<16xf32> to vector<1x16xf32>
          tpu.vector_store %arg9[%swap3A_124, %swap3A_125], %swap3A_128 {strides = array<i32>} : memref<256x64xf32, #tpu.memory_space<vmem>>, vector<1x16xf32>,
          %get3A_129 = arith.index_cast %add3A_119 : i32 to index
          %get3A_130 = arith.constant 16 : index
          %get3A_131 = tpu.vector_load %arg7[%get3A_129, %get3A_130] {strides = array<i32>} : memref<256x128xf32, #tpu.memory_space<vmem>>, vector<1x16xf32>,
          %get3A_132 = vector.shape_cast %get3A_131 : vector<1x16xf32> to vector<16xf32>
          %swap3A_133 = arith.index_cast %add3A_119 : i32 to index
          %swap3A_134 = arith.constant 16 : index
          %swap3A_135 = tpu.vector_load %arg9[%swap3A_133, %swap3A_134] {strides = array<i32>} : memref<256x64xf32, #tpu.memory_space<vmem>>, vector<1x16xf32>,
          %swap3A_136 = vector.shape_cast %swap3A_135 : vector<1x16xf32> to vector<16xf32>
          %swap3A_137 = vector.shape_cast %get3A_132 : vector<16xf32> to vector<1x16xf32>
          tpu.vector_store %arg9[%swap3A_133, %swap3A_134], %swap3A_137 {strides = array<i32>} : memref<256x64xf32, #tpu.memory_space<vmem>>, vector<1x16xf32>,
          %get3A_138 = arith.index_cast %add3A_119 : i32 to index
          %get3A_139 = arith.constant 32 : index
          %get3A_140 = tpu.vector_load %arg7[%get3A_138, %get3A_139] {strides = array<i32>} : memref<256x128xf32, #tpu.memory_space<vmem>>, vector<1x16xf32>,
          %get3A_141 = vector.shape_cast %get3A_140 : vector<1x16xf32> to vector<16xf32>
          %swap3A_142 = arith.index_cast %add3A_119 : i32 to index
          %swap3A_143 = arith.constant 32 : index
          %swap3A_144 = tpu.vector_load %arg9[%swap3A_142, %swap3A_143] {strides = array<i32>} : memref<256x64xf32, #tpu.memory_space<vmem>>, vector<1x16xf32>,
          %swap3A_145 = vector.shape_cast %swap3A_144 : vector<1x16xf32> to vector<16xf32>
          %swap3A_146 = vector.shape_cast %get3A_141 : vector<16xf32> to vector<1x16xf32>
          tpu.vector_store %arg9[%swap3A_142, %swap3A_143], %swap3A_146 {strides = array<i32>} : memref<256x64xf32, #tpu.memory_space<vmem>>, vector<1x16xf32>,
          %get3A_147 = arith.index_cast %add3A_119 : i32 to index
          %get3A_148 = arith.constant 48 : index
          %get3A_149 = tpu.vector_load %arg7[%get3A_147, %get3A_148] {strides = array<i32>} : memref<256x128xf32, #tpu.memory_space<vmem>>, vector<1x16xf32>,
          %get3A_150 = vector.shape_cast %get3A_149 : vector<1x16xf32> to vector<16xf32>
          %swap3A_151 = arith.index_cast %add3A_119 : i32 to index
          %swap3A_152 = arith.constant 48 : index
          %swap3A_153 = tpu.vector_load %arg9[%swap3A_151, %swap3A_152] {strides = array<i32>} : memref<256x64xf32, #tpu.memory_space<vmem>>, vector<1x16xf32>,
          %swap3A_154 = vector.shape_cast %swap3A_153 : vector<1x16xf32> to vector<16xf32>
          %swap3A_155 = vector.shape_cast %get3A_150 : vector<16xf32> to vector<1x16xf32>
          tpu.vector_store %arg9[%swap3A_151, %swap3A_152], %swap3A_155 {strides = array<i32>} : memref<256x64xf32, #tpu.memory_space<vmem>>, vector<1x16xf32>,
          %mul3A_156 = arith.constant 4 : i32
          %mul3A_157 = arith.muli %scan3A_37, %mul3A_156 : i32
          %add3A_158 = arith.constant 3 : i32
          %add3A_159 = arith.addi %mul3A_157, %add3A_158 : i32
          %get3A_160 = arith.index_cast %add3A_159 : i32 to index
          %get3A_161 = arith.constant 0 : index
          %get3A_162 = tpu.vector_load %arg7[%get3A_160, %get3A_161] {strides = array<i32>} : memref<256x128xf32, #tpu.memory_space<vmem>>, vector<1x16xf32>,
          %get3A_163 = vector.shape_cast %get3A_162 : vector<1x16xf32> to vector<16xf32>
          %swap3A_164 = arith.index_cast %add3A_159 : i32 to index
          %swap3A_165 = arith.constant 0 : index
          %swap3A_166 = tpu.vector_load %arg9[%swap3A_164, %swap3A_165] {strides = array<i32>} : memref<256x64xf32, #tpu.memory_space<vmem>>, vector<1x16xf32>,
          %swap3A_167 = vector.shape_cast %swap3A_166 : vector<1x16xf32> to vector<16xf32>
          %swap3A_168 = vector.shape_cast %get3A_163 : vector<16xf32> to vector<1x16xf32>
          tpu.vector_store %arg9[%swap3A_164, %swap3A_165], %swap3A_168 {strides = array<i32>} : memref<256x64xf32, #tpu.memory_space<vmem>>, vector<1x16xf32>,
          %get3A_169 = arith.index_cast %add3A_159 : i32 to index
          %get3A_170 = arith.constant 16 : index
          %get3A_171 = tpu.vector_load %arg7[%get3A_169, %get3A_170] {strides = array<i32>} : memref<256x128xf32, #tpu.memory_space<vmem>>, vector<1x16xf32>,
          %get3A_172 = vector.shape_cast %get3A_171 : vector<1x16xf32> to vector<16xf32>
          %swap3A_173 = arith.index_cast %add3A_159 : i32 to index
          %swap3A_174 = arith.constant 16 : index
          %swap3A_175 = tpu.vector_load %arg9[%swap3A_173, %swap3A_174] {strides = array<i32>} : memref<256x64xf32, #tpu.memory_space<vmem>>, vector<1x16xf32>,
          %swap3A_176 = vector.shape_cast %swap3A_175 : vector<1x16xf32> to vector<16xf32>
          %swap3A_177 = vector.shape_cast %get3A_172 : vector<16xf32> to vector<1x16xf32>
          tpu.vector_store %arg9[%swap3A_173, %swap3A_174], %swap3A_177 {strides = array<i32>} : memref<256x64xf32, #tpu.memory_space<vmem>>, vector<1x16xf32>,
          %get3A_178 = arith.index_cast %add3A_159 : i32 to index
          %get3A_179 = arith.constant 32 : index
          %get3A_180 = tpu.vector_load %arg7[%get3A_178, %get3A_179] {strides = array<i32>} : memref<256x128xf32, #tpu.memory_space<vmem>>, vector<1x16xf32>,
          %get3A_181 = vector.shape_cast %get3A_180 : vector<1x16xf32> to vector<16xf32>
          %swap3A_182 = arith.index_cast %add3A_159 : i32 to index
          %swap3A_183 = arith.constant 32 : index
          %swap3A_184 = tpu.vector_load %arg9[%swap3A_182, %swap3A_183] {strides = array<i32>} : memref<256x64xf32, #tpu.memory_space<vmem>>, vector<1x16xf32>,
          %swap3A_185 = vector.shape_cast %swap3A_184 : vector<1x16xf32> to vector<16xf32>
          %swap3A_186 = vector.shape_cast %get3A_181 : vector<16xf32> to vector<1x16xf32>
          tpu.vector_store %arg9[%swap3A_182, %swap3A_183], %swap3A_186 {strides = array<i32>} : memref<256x64xf32, #tpu.memory_space<vmem>>, vector<1x16xf32>,
          %get3A_187 = arith.index_cast %add3A_159 : i32 to index
          %get3A_188 = arith.constant 48 : index
          %get3A_189 = tpu.vector_load %arg7[%get3A_187, %get3A_188] {strides = array<i32>} : memref<256x128xf32, #tpu.memory_space<vmem>>, vector<1x16xf32>,
          %get3A_190 = vector.shape_cast %get3A_189 : vector<1x16xf32> to vector<16xf32>
          %swap3A_191 = arith.index_cast %add3A_159 : i32 to index
          %swap3A_192 = arith.constant 48 : index
          %swap3A_193 = tpu.vector_load %arg9[%swap3A_191, %swap3A_192] {strides = array<i32>} : memref<256x64xf32, #tpu.memory_space<vmem>>, vector<1x16xf32>,
          %swap3A_194 = vector.shape_cast %swap3A_193 : vector<1x16xf32> to vector<16xf32>
          %swap3A_195 = vector.shape_cast %get3A_190 : vector<16xf32> to vector<1x16xf32>
          tpu.vector_store %arg9[%swap3A_191, %swap3A_192], %swap3A_195 {strides = array<i32>} : memref<256x64xf32, #tpu.memory_space<vmem>>, vector<1x16xf32>,
        }
        %scan3A_36 = arith.constant 64 : i32
      } else {
      }
      %eq3A_21 = arith.constant 1 : i32
      %eq3A_22 = arith.cmpi eq, %rem3A_11, %eq3A_21 : i32
      %convert_element_type3A_23 = arith.extui %eq3A_22 : i1 to i32
      %cond3A_24 = arith.constant 0 : i32
      %cond3A_25 = arith.cmpi ne, %convert_element_type3A_23, %cond3A_24 : i32
      scf.if %cond3A_25 {
        %dma_wait3A = arith.constant 0 : i32
        %dma_wait3A_29 = arith.constant 0 : i32
        %dma_wait3A_30 = tpu.memref_slice %arg2[%dma_wait3A, %dma_wait3A_29] : memref<1003520x128xf32, #tpu.memory_space<hbm>> -> memref<1003520x128xf32, #tpu.memory_space<hbm>>
        tpu.wait_indirect_dma semaphore(%arg11 : memref<!tpu.dma_semaphore, #tpu.memory_space<semaphore_mem>>) src(%dma_wait3A_30 : memref<1003520x128xf32, #tpu.memory_space<hbm>>) dst(%arg8 : memref<256x128xf32, #tpu.memory_space<vmem>>)
        %scan3A_31 = arith.constant 0 : i32
        %scan3A_32 = arith.constant 0 : i32
        %scan3A_33 = arith.constant 64 : i32
        %scan3A_34 = arith.addi %scan3A_32, %scan3A_33 : i32
        %scan3A_35 = arith.constant 1 : i32
        scf.for %scan3A_37 = %scan3A_32 to %scan3A_34 step %scan3A_35  : i32 {
          %mul3A_38 = arith.constant 4 : i32
          %mul3A_39 = arith.muli %scan3A_37, %mul3A_38 : i32
          %add3A_40 = arith.constant 0 : i32
          %add3A_41 = arith.addi %mul3A_39, %add3A_40 : i32
          %get3A = arith.index_cast %add3A_41 : i32 to index
          %get3A_42 = arith.constant 0 : index
          %get3A_43 = tpu.vector_load %arg8[%get3A, %get3A_42] {strides = array<i32>} : memref<256x128xf32, #tpu.memory_space<vmem>>, vector<1x16xf32>,
          %get3A_44 = vector.shape_cast %get3A_43 : vector<1x16xf32> to vector<16xf32>
          %swap3A = arith.index_cast %add3A_41 : i32 to index
          %swap3A_45 = arith.constant 0 : index
          %swap3A_46 = tpu.vector_load %arg9[%swap3A, %swap3A_45] {strides = array<i32>} : memref<256x64xf32, #tpu.memory_space<vmem>>, vector<1x16xf32>,
          %swap3A_47 = vector.shape_cast %swap3A_46 : vector<1x16xf32> to vector<16xf32>
          %swap3A_48 = vector.shape_cast %get3A_44 : vector<16xf32> to vector<1x16xf32>
          tpu.vector_store %arg9[%swap3A, %swap3A_45], %swap3A_48 {strides = array<i32>} : memref<256x64xf32, #tpu.memory_space<vmem>>, vector<1x16xf32>,
          %get3A_49 = arith.index_cast %add3A_41 : i32 to index
          %get3A_50 = arith.constant 16 : index
          %get3A_51 = tpu.vector_load %arg8[%get3A_49, %get3A_50] {strides = array<i32>} : memref<256x128xf32, #tpu.memory_space<vmem>>, vector<1x16xf32>,
          %get3A_52 = vector.shape_cast %get3A_51 : vector<1x16xf32> to vector<16xf32>
          %swap3A_53 = arith.index_cast %add3A_41 : i32 to index
          %swap3A_54 = arith.constant 16 : index
          %swap3A_55 = tpu.vector_load %arg9[%swap3A_53, %swap3A_54] {strides = array<i32>} : memref<256x64xf32, #tpu.memory_space<vmem>>, vector<1x16xf32>,
          %swap3A_56 = vector.shape_cast %swap3A_55 : vector<1x16xf32> to vector<16xf32>
          %swap3A_57 = vector.shape_cast %get3A_52 : vector<16xf32> to vector<1x16xf32>
          tpu.vector_store %arg9[%swap3A_53, %swap3A_54], %swap3A_57 {strides = array<i32>} : memref<256x64xf32, #tpu.memory_space<vmem>>, vector<1x16xf32>,
          %get3A_58 = arith.index_cast %add3A_41 : i32 to index
          %get3A_59 = arith.constant 32 : index
          %get3A_60 = tpu.vector_load %arg8[%get3A_58, %get3A_59] {strides = array<i32>} : memref<256x128xf32, #tpu.memory_space<vmem>>, vector<1x16xf32>,
          %get3A_61 = vector.shape_cast %get3A_60 : vector<1x16xf32> to vector<16xf32>
          %swap3A_62 = arith.index_cast %add3A_41 : i32 to index
          %swap3A_63 = arith.constant 32 : index
          %swap3A_64 = tpu.vector_load %arg9[%swap3A_62, %swap3A_63] {strides = array<i32>} : memref<256x64xf32, #tpu.memory_space<vmem>>, vector<1x16xf32>,
          %swap3A_65 = vector.shape_cast %swap3A_64 : vector<1x16xf32> to vector<16xf32>
          %swap3A_66 = vector.shape_cast %get3A_61 : vector<16xf32> to vector<1x16xf32>
          tpu.vector_store %arg9[%swap3A_62, %swap3A_63], %swap3A_66 {strides = array<i32>} : memref<256x64xf32, #tpu.memory_space<vmem>>, vector<1x16xf32>,
          %get3A_67 = arith.index_cast %add3A_41 : i32 to index
          %get3A_68 = arith.constant 48 : index
          %get3A_69 = tpu.vector_load %arg8[%get3A_67, %get3A_68] {strides = array<i32>} : memref<256x128xf32, #tpu.memory_space<vmem>>, vector<1x16xf32>,
          %get3A_70 = vector.shape_cast %get3A_69 : vector<1x16xf32> to vector<16xf32>
          %swap3A_71 = arith.index_cast %add3A_41 : i32 to index
          %swap3A_72 = arith.constant 48 : index
          %swap3A_73 = tpu.vector_load %arg9[%swap3A_71, %swap3A_72] {strides = array<i32>} : memref<256x64xf32, #tpu.memory_space<vmem>>, vector<1x16xf32>,
          %swap3A_74 = vector.shape_cast %swap3A_73 : vector<1x16xf32> to vector<16xf32>
          %swap3A_75 = vector.shape_cast %get3A_70 : vector<16xf32> to vector<1x16xf32>
          tpu.vector_store %arg9[%swap3A_71, %swap3A_72], %swap3A_75 {strides = array<i32>} : memref<256x64xf32, #tpu.memory_space<vmem>>, vector<1x16xf32>,
          %mul3A_76 = arith.constant 4 : i32
          %mul3A_77 = arith.muli %scan3A_37, %mul3A_76 : i32
          %add3A_78 = arith.constant 1 : i32
          %add3A_79 = arith.addi %mul3A_77, %add3A_78 : i32
          %get3A_80 = arith.index_cast %add3A_79 : i32 to index
          %get3A_81 = arith.constant 0 : index
          %get3A_82 = tpu.vector_load %arg8[%get3A_80, %get3A_81] {strides = array<i32>} : memref<256x128xf32, #tpu.memory_space<vmem>>, vector<1x16xf32>,
          %get3A_83 = vector.shape_cast %get3A_82 : vector<1x16xf32> to vector<16xf32>
          %swap3A_84 = arith.index_cast %add3A_79 : i32 to index
          %swap3A_85 = arith.constant 0 : index
          %swap3A_86 = tpu.vector_load %arg9[%swap3A_84, %swap3A_85] {strides = array<i32>} : memref<256x64xf32, #tpu.memory_space<vmem>>, vector<1x16xf32>,
          %swap3A_87 = vector.shape_cast %swap3A_86 : vector<1x16xf32> to vector<16xf32>
          %swap3A_88 = vector.shape_cast %get3A_83 : vector<16xf32> to vector<1x16xf32>
          tpu.vector_store %arg9[%swap3A_84, %swap3A_85], %swap3A_88 {strides = array<i32>} : memref<256x64xf32, #tpu.memory_space<vmem>>, vector<1x16xf32>,
          %get3A_89 = arith.index_cast %add3A_79 : i32 to index
          %get3A_90 = arith.constant 16 : index
          %get3A_91 = tpu.vector_load %arg8[%get3A_89, %get3A_90] {strides = array<i32>} : memref<256x128xf32, #tpu.memory_space<vmem>>, vector<1x16xf32>,
          %get3A_92 = vector.shape_cast %get3A_91 : vector<1x16xf32> to vector<16xf32>
          %swap3A_93 = arith.index_cast %add3A_79 : i32 to index
          %swap3A_94 = arith.constant 16 : index
          %swap3A_95 = tpu.vector_load %arg9[%swap3A_93, %swap3A_94] {strides = array<i32>} : memref<256x64xf32, #tpu.memory_space<vmem>>, vector<1x16xf32>,
          %swap3A_96 = vector.shape_cast %swap3A_95 : vector<1x16xf32> to vector<16xf32>
          %swap3A_97 = vector.shape_cast %get3A_92 : vector<16xf32> to vector<1x16xf32>
          tpu.vector_store %arg9[%swap3A_93, %swap3A_94], %swap3A_97 {strides = array<i32>} : memref<256x64xf32, #tpu.memory_space<vmem>>, vector<1x16xf32>,
          %get3A_98 = arith.index_cast %add3A_79 : i32 to index
          %get3A_99 = arith.constant 32 : index
          %get3A_100 = tpu.vector_load %arg8[%get3A_98, %get3A_99] {strides = array<i32>} : memref<256x128xf32, #tpu.memory_space<vmem>>, vector<1x16xf32>,
          %get3A_101 = vector.shape_cast %get3A_100 : vector<1x16xf32> to vector<16xf32>
          %swap3A_102 = arith.index_cast %add3A_79 : i32 to index
          %swap3A_103 = arith.constant 32 : index
          %swap3A_104 = tpu.vector_load %arg9[%swap3A_102, %swap3A_103] {strides = array<i32>} : memref<256x64xf32, #tpu.memory_space<vmem>>, vector<1x16xf32>,
          %swap3A_105 = vector.shape_cast %swap3A_104 : vector<1x16xf32> to vector<16xf32>
          %swap3A_106 = vector.shape_cast %get3A_101 : vector<16xf32> to vector<1x16xf32>
          tpu.vector_store %arg9[%swap3A_102, %swap3A_103], %swap3A_106 {strides = array<i32>} : memref<256x64xf32, #tpu.memory_space<vmem>>, vector<1x16xf32>,
          %get3A_107 = arith.index_cast %add3A_79 : i32 to index
          %get3A_108 = arith.constant 48 : index
          %get3A_109 = tpu.vector_load %arg8[%get3A_107, %get3A_108] {strides = array<i32>} : memref<256x128xf32, #tpu.memory_space<vmem>>, vector<1x16xf32>,
          %get3A_110 = vector.shape_cast %get3A_109 : vector<1x16xf32> to vector<16xf32>
          %swap3A_111 = arith.index_cast %add3A_79 : i32 to index
          %swap3A_112 = arith.constant 48 : index
          %swap3A_113 = tpu.vector_load %arg9[%swap3A_111, %swap3A_112] {strides = array<i32>} : memref<256x64xf32, #tpu.memory_space<vmem>>, vector<1x16xf32>,
          %swap3A_114 = vector.shape_cast %swap3A_113 : vector<1x16xf32> to vector<16xf32>
          %swap3A_115 = vector.shape_cast %get3A_110 : vector<16xf32> to vector<1x16xf32>
          tpu.vector_store %arg9[%swap3A_111, %swap3A_112], %swap3A_115 {strides = array<i32>} : memref<256x64xf32, #tpu.memory_space<vmem>>, vector<1x16xf32>,
          %mul3A_116 = arith.constant 4 : i32
          %mul3A_117 = arith.muli %scan3A_37, %mul3A_116 : i32
          %add3A_118 = arith.constant 2 : i32
          %add3A_119 = arith.addi %mul3A_117, %add3A_118 : i32
          %get3A_120 = arith.index_cast %add3A_119 : i32 to index
          %get3A_121 = arith.constant 0 : index
          %get3A_122 = tpu.vector_load %arg8[%get3A_120, %get3A_121] {strides = array<i32>} : memref<256x128xf32, #tpu.memory_space<vmem>>, vector<1x16xf32>,
          %get3A_123 = vector.shape_cast %get3A_122 : vector<1x16xf32> to vector<16xf32>
          %swap3A_124 = arith.index_cast %add3A_119 : i32 to index
          %swap3A_125 = arith.constant 0 : index
          %swap3A_126 = tpu.vector_load %arg9[%swap3A_124, %swap3A_125] {strides = array<i32>} : memref<256x64xf32, #tpu.memory_space<vmem>>, vector<1x16xf32>,
          %swap3A_127 = vector.shape_cast %swap3A_126 : vector<1x16xf32> to vector<16xf32>
          %swap3A_128 = vector.shape_cast %get3A_123 : vector<16xf32> to vector<1x16xf32>
          tpu.vector_store %arg9[%swap3A_124, %swap3A_125], %swap3A_128 {strides = array<i32>} : memref<256x64xf32, #tpu.memory_space<vmem>>, vector<1x16xf32>,
          %get3A_129 = arith.index_cast %add3A_119 : i32 to index
          %get3A_130 = arith.constant 16 : index
          %get3A_131 = tpu.vector_load %arg8[%get3A_129, %get3A_130] {strides = array<i32>} : memref<256x128xf32, #tpu.memory_space<vmem>>, vector<1x16xf32>,
          %get3A_132 = vector.shape_cast %get3A_131 : vector<1x16xf32> to vector<16xf32>
          %swap3A_133 = arith.index_cast %add3A_119 : i32 to index
          %swap3A_134 = arith.constant 16 : index
          %swap3A_135 = tpu.vector_load %arg9[%swap3A_133, %swap3A_134] {strides = array<i32>} : memref<256x64xf32, #tpu.memory_space<vmem>>, vector<1x16xf32>,
          %swap3A_136 = vector.shape_cast %swap3A_135 : vector<1x16xf32> to vector<16xf32>
          %swap3A_137 = vector.shape_cast %get3A_132 : vector<16xf32> to vector<1x16xf32>
          tpu.vector_store %arg9[%swap3A_133, %swap3A_134], %swap3A_137 {strides = array<i32>} : memref<256x64xf32, #tpu.memory_space<vmem>>, vector<1x16xf32>,
          %get3A_138 = arith.index_cast %add3A_119 : i32 to index
          %get3A_139 = arith.constant 32 : index
          %get3A_140 = tpu.vector_load %arg8[%get3A_138, %get3A_139] {strides = array<i32>} : memref<256x128xf32, #tpu.memory_space<vmem>>, vector<1x16xf32>,
          %get3A_141 = vector.shape_cast %get3A_140 : vector<1x16xf32> to vector<16xf32>
          %swap3A_142 = arith.index_cast %add3A_119 : i32 to index
          %swap3A_143 = arith.constant 32 : index
          %swap3A_144 = tpu.vector_load %arg9[%swap3A_142, %swap3A_143] {strides = array<i32>} : memref<256x64xf32, #tpu.memory_space<vmem>>, vector<1x16xf32>,
          %swap3A_145 = vector.shape_cast %swap3A_144 : vector<1x16xf32> to vector<16xf32>
          %swap3A_146 = vector.shape_cast %get3A_141 : vector<16xf32> to vector<1x16xf32>
          tpu.vector_store %arg9[%swap3A_142, %swap3A_143], %swap3A_146 {strides = array<i32>} : memref<256x64xf32, #tpu.memory_space<vmem>>, vector<1x16xf32>,
          %get3A_147 = arith.index_cast %add3A_119 : i32 to index
          %get3A_148 = arith.constant 48 : index
          %get3A_149 = tpu.vector_load %arg8[%get3A_147, %get3A_148] {strides = array<i32>} : memref<256x128xf32, #tpu.memory_space<vmem>>, vector<1x16xf32>,
          %get3A_150 = vector.shape_cast %get3A_149 : vector<1x16xf32> to vector<16xf32>
          %swap3A_151 = arith.index_cast %add3A_119 : i32 to index
          %swap3A_152 = arith.constant 48 : index
          %swap3A_153 = tpu.vector_load %arg9[%swap3A_151, %swap3A_152] {strides = array<i32>} : memref<256x64xf32, #tpu.memory_space<vmem>>, vector<1x16xf32>,
          %swap3A_154 = vector.shape_cast %swap3A_153 : vector<1x16xf32> to vector<16xf32>
          %swap3A_155 = vector.shape_cast %get3A_150 : vector<16xf32> to vector<1x16xf32>
          tpu.vector_store %arg9[%swap3A_151, %swap3A_152], %swap3A_155 {strides = array<i32>} : memref<256x64xf32, #tpu.memory_space<vmem>>, vector<1x16xf32>,
          %mul3A_156 = arith.constant 4 : i32
          %mul3A_157 = arith.muli %scan3A_37, %mul3A_156 : i32
          %add3A_158 = arith.constant 3 : i32
          %add3A_159 = arith.addi %mul3A_157, %add3A_158 : i32
          %get3A_160 = arith.index_cast %add3A_159 : i32 to index
          %get3A_161 = arith.constant 0 : index
          %get3A_162 = tpu.vector_load %arg8[%get3A_160, %get3A_161] {strides = array<i32>} : memref<256x128xf32, #tpu.memory_space<vmem>>, vector<1x16xf32>,
          %get3A_163 = vector.shape_cast %get3A_162 : vector<1x16xf32> to vector<16xf32>
          %swap3A_164 = arith.index_cast %add3A_159 : i32 to index
          %swap3A_165 = arith.constant 0 : index
          %swap3A_166 = tpu.vector_load %arg9[%swap3A_164, %swap3A_165] {strides = array<i32>} : memref<256x64xf32, #tpu.memory_space<vmem>>, vector<1x16xf32>,
          %swap3A_167 = vector.shape_cast %swap3A_166 : vector<1x16xf32> to vector<16xf32>
          %swap3A_168 = vector.shape_cast %get3A_163 : vector<16xf32> to vector<1x16xf32>
          tpu.vector_store %arg9[%swap3A_164, %swap3A_165], %swap3A_168 {strides = array<i32>} : memref<256x64xf32, #tpu.memory_space<vmem>>, vector<1x16xf32>,
          %get3A_169 = arith.index_cast %add3A_159 : i32 to index
          %get3A_170 = arith.constant 16 : index
          %get3A_171 = tpu.vector_load %arg8[%get3A_169, %get3A_170] {strides = array<i32>} : memref<256x128xf32, #tpu.memory_space<vmem>>, vector<1x16xf32>,
          %get3A_172 = vector.shape_cast %get3A_171 : vector<1x16xf32> to vector<16xf32>
          %swap3A_173 = arith.index_cast %add3A_159 : i32 to index
          %swap3A_174 = arith.constant 16 : index
          %swap3A_175 = tpu.vector_load %arg9[%swap3A_173, %swap3A_174] {strides = array<i32>} : memref<256x64xf32, #tpu.memory_space<vmem>>, vector<1x16xf32>,
          %swap3A_176 = vector.shape_cast %swap3A_175 : vector<1x16xf32> to vector<16xf32>
          %swap3A_177 = vector.shape_cast %get3A_172 : vector<16xf32> to vector<1x16xf32>
          tpu.vector_store %arg9[%swap3A_173, %swap3A_174], %swap3A_177 {strides = array<i32>} : memref<256x64xf32, #tpu.memory_space<vmem>>, vector<1x16xf32>,
          %get3A_178 = arith.index_cast %add3A_159 : i32 to index
          %get3A_179 = arith.constant 32 : index
          %get3A_180 = tpu.vector_load %arg8[%get3A_178, %get3A_179] {strides = array<i32>} : memref<256x128xf32, #tpu.memory_space<vmem>>, vector<1x16xf32>,
          %get3A_181 = vector.shape_cast %get3A_180 : vector<1x16xf32> to vector<16xf32>
          %swap3A_182 = arith.index_cast %add3A_159 : i32 to index
          %swap3A_183 = arith.constant 32 : index
          %swap3A_184 = tpu.vector_load %arg9[%swap3A_182, %swap3A_183] {strides = array<i32>} : memref<256x64xf32, #tpu.memory_space<vmem>>, vector<1x16xf32>,
          %swap3A_185 = vector.shape_cast %swap3A_184 : vector<1x16xf32> to vector<16xf32>
          %swap3A_186 = vector.shape_cast %get3A_181 : vector<16xf32> to vector<1x16xf32>
          tpu.vector_store %arg9[%swap3A_182, %swap3A_183], %swap3A_186 {strides = array<i32>} : memref<256x64xf32, #tpu.memory_space<vmem>>, vector<1x16xf32>,
          %get3A_187 = arith.index_cast %add3A_159 : i32 to index
          %get3A_188 = arith.constant 48 : index
          %get3A_189 = tpu.vector_load %arg8[%get3A_187, %get3A_188] {strides = array<i32>} : memref<256x128xf32, #tpu.memory_space<vmem>>, vector<1x16xf32>,
          %get3A_190 = vector.shape_cast %get3A_189 : vector<1x16xf32> to vector<16xf32>
          %swap3A_191 = arith.index_cast %add3A_159 : i32 to index
          %swap3A_192 = arith.constant 48 : index
          %swap3A_193 = tpu.vector_load %arg9[%swap3A_191, %swap3A_192] {strides = array<i32>} : memref<256x64xf32, #tpu.memory_space<vmem>>, vector<1x16xf32>,
          %swap3A_194 = vector.shape_cast %swap3A_193 : vector<1x16xf32> to vector<16xf32>
          %swap3A_195 = vector.shape_cast %get3A_190 : vector<16xf32> to vector<1x16xf32>
          tpu.vector_store %arg9[%swap3A_191, %swap3A_192], %swap3A_195 {strides = array<i32>} : memref<256x64xf32, #tpu.memory_space<vmem>>, vector<1x16xf32>,
        }
        %scan3A_36 = arith.constant 64 : i32
      } else {
      }
      %mul3A_26 = arith.constant 256 : i32
      %mul3A_27 = arith.muli %scan3A_10, %mul3A_26 : i32
      %add3A_28 = arith.addi %mul3A_2, %mul3A_27 : i32
      "tpu.region"() ({
        %run_scoped3A = tpu.sem_alloc : memref<!tpu.dma_semaphore, #tpu.memory_space<semaphore_mem>>
        %dma_start3A_29 = arith.constant 0 : i32
        %dma_start3A_30 = tpu.memref_slice %arg4[%add3A_28, %dma_start3A_29] : memref<819200x64xf32, #tpu.memory_space<hbm>> -> memref<256x64xf32, #tpu.memory_space<hbm>>
        %dma_start3A_31 = arith.constant 0 : i32
        %dma_start3A_32 = tpu.memref_slice %arg4[%add3A_28, %dma_start3A_31] : memref<819200x64xf32, #tpu.memory_space<hbm>> -> memref<256x64xf32, #tpu.memory_space<hbm>>
        tpu.enqueue_dma source(%arg9 : memref<256x64xf32, #tpu.memory_space<vmem>>) target(%dma_start3A_32 : memref<256x64xf32, #tpu.memory_space<hbm>>) target_semaphore(%run_scoped3A : memref<!tpu.dma_semaphore, #tpu.memory_space<semaphore_mem>>)
        %dma_wait3A = arith.constant 0 : i32
        %dma_wait3A_33 = tpu.memref_slice %arg4[%add3A_28, %dma_wait3A] : memref<819200x64xf32, #tpu.memory_space<hbm>> -> memref<256x64xf32, #tpu.memory_space<hbm>>
        %dma_wait3A_34 = arith.constant 0 : i32
        %dma_wait3A_35 = tpu.memref_slice %arg4[%add3A_28, %dma_wait3A_34] : memref<819200x64xf32, #tpu.memory_space<hbm>> -> memref<256x64xf32, #tpu.memory_space<hbm>>
        tpu.wait_dma2 semaphore(%run_scoped3A : memref<!tpu.dma_semaphore, #tpu.memory_space<semaphore_mem>>) src(%arg9 : memref<256x64xf32, #tpu.memory_space<vmem>>) dst(%dma_wait3A_35 : memref<256x64xf32, #tpu.memory_space<hbm>>)
        tpu.yield
      }) : () -> ()
    }
    %scan3A_9 = arith.constant 100 : i32
    return
  }
}

module attributes {stable_mosaic.version = 14 : i64} {
  func.func @_repack_body(%arg0: i32, %arg1: memref<64x4096xf32, #tpu.memory_space<vmem>>, %arg2: memref<4096x128xf32, #tpu.memory_space<vmem>>) attributes {dimension_semantics = [#tpu.dimension_semantics<parallel>], iteration_bounds = array<i64: 245>, scalar_prefetch = 0 : i64, scratch_operands = 0 : i64, tpu.core_type = #tpu.core_type<tc>, window_params = [{transform_indices = @transform_0, window_bounds = array<i64: 64, 4096>}, {transform_indices = @transform_1, window_bounds = array<i64: 4096, 128>}]} {
    %get3A = arith.constant 0 : index
    %get3A_0 = arith.constant 0 : index
    %get3A_1 = vector.load %arg1[%get3A, %get3A_0] : memref<64x4096xf32, #tpu.memory_space<vmem>>, vector<64x4096xf32>
    %slice3A = vector.extract_strided_slice %get3A_1 {offsets = [0, 0], sizes = [64, 512], strides = [1, 1]} : vector<64x4096xf32> to vector<64x512xf32>
    %transpose3A = tpu.transpose %slice3A, [1, 0] : vector<64x512xf32> -> vector<512x64xf32>
    %slice3A_2 = vector.extract_strided_slice %get3A_1 {offsets = [0, 512], sizes = [64, 512], strides = [1, 1]} : vector<64x4096xf32> to vector<64x512xf32>
    %transpose3A_3 = tpu.transpose %slice3A_2, [1, 0] : vector<64x512xf32> -> vector<512x64xf32>
    %slice3A_4 = vector.extract_strided_slice %get3A_1 {offsets = [0, 1024], sizes = [64, 512], strides = [1, 1]} : vector<64x4096xf32> to vector<64x512xf32>
    %transpose3A_5 = tpu.transpose %slice3A_4, [1, 0] : vector<64x512xf32> -> vector<512x64xf32>
    %slice3A_6 = vector.extract_strided_slice %get3A_1 {offsets = [0, 1536], sizes = [64, 512], strides = [1, 1]} : vector<64x4096xf32> to vector<64x512xf32>
    %transpose3A_7 = tpu.transpose %slice3A_6, [1, 0] : vector<64x512xf32> -> vector<512x64xf32>
    %slice3A_8 = vector.extract_strided_slice %get3A_1 {offsets = [0, 2048], sizes = [64, 512], strides = [1, 1]} : vector<64x4096xf32> to vector<64x512xf32>
    %transpose3A_9 = tpu.transpose %slice3A_8, [1, 0] : vector<64x512xf32> -> vector<512x64xf32>
    %slice3A_10 = vector.extract_strided_slice %get3A_1 {offsets = [0, 2560], sizes = [64, 512], strides = [1, 1]} : vector<64x4096xf32> to vector<64x512xf32>
    %transpose3A_11 = tpu.transpose %slice3A_10, [1, 0] : vector<64x512xf32> -> vector<512x64xf32>
    %slice3A_12 = vector.extract_strided_slice %get3A_1 {offsets = [0, 3072], sizes = [64, 512], strides = [1, 1]} : vector<64x4096xf32> to vector<64x512xf32>
    %transpose3A_13 = tpu.transpose %slice3A_12, [1, 0] : vector<64x512xf32> -> vector<512x64xf32>
    %slice3A_14 = vector.extract_strided_slice %get3A_1 {offsets = [0, 3584], sizes = [64, 512], strides = [1, 1]} : vector<64x4096xf32> to vector<64x512xf32>
    %transpose3A_15 = tpu.transpose %slice3A_14, [1, 0] : vector<64x512xf32> -> vector<512x64xf32>
    %concatenate3A = tpu.concatenate %transpose3A, %transpose3A_3, %transpose3A_5, %transpose3A_7, %transpose3A_9, %transpose3A_11, %transpose3A_13, %transpose3A_15 in 0 : vector<512x64xf32>, vector<512x64xf32>, vector<512x64xf32>, vector<512x64xf32>, vector<512x64xf32>, vector<512x64xf32>, vector<512x64xf32>, vector<512x64xf32> -> vector<4096x64xf32>
    %concatenate3A_16 = tpu.concatenate %concatenate3A, %concatenate3A in 1 : vector<4096x64xf32>, vector<4096x64xf32> -> vector<4096x128xf32>
    %swap3A = arith.constant 0 : index
    %swap3A_17 = arith.constant 0 : index
    %swap3A_18 = vector.load %arg2[%swap3A, %swap3A_17] : memref<4096x128xf32, #tpu.memory_space<vmem>>, vector<4096x128xf32>
    tpu.vector_store %arg2[%swap3A, %swap3A_17], %concatenate3A_16 {strides = array<i32>} : memref<4096x128xf32, #tpu.memory_space<vmem>>, vector<4096x128xf32>,
    return
  }
  func.func @transform_0(%arg0: i32) -> (i32, i32) {
    %c0_i32 = arith.constant 0 : i32
    %c0_i32_0 = arith.constant 0 : i32
    return %c0_i32, %arg0 : i32, i32
  }
  func.func @transform_1(%arg0: i32) -> (i32, i32) {
    %c0_i32 = arith.constant 0 : i32
    %c0_i32_0 = arith.constant 0 : i32
    return %arg0, %c0_i32 : i32, i32
  }
}

</mosaic_0001>

<sc_bundles>
// kernel: kernel.4.cloned.1.call-start
scs
__scs_entry_jumppad:
0x0: {  	(pc) =	sbr.rel $0x88, $3  }
0x1: {  	(tag) =	ssettag $0x0;
	lr =	simm.s32 $0x1  }
0x2: {  	[smem:$0x3F9F] =	sst lr;
	_ =	strace $0xD0000000  }
0x3: {  	_ = 	snop  }
0x4: {  	_ = 	snop  }
0x5: {  	_ = 	snop  }
0x6: {  	_ = 	snop  }
0x7: {  	_ = 	snop  }
__scs_overlays_trampoline_lowered:
0x8: {  	[smem:$0x3FAE] =	sst s0  }
0x9: {  	[smem:$0x3FAF] =	sst s1  }
0xa: {  	[smem:$0x3FB0] =	sst s2  }
0xb: {  	[smem:$0x3FB1] =	sst s3  }
0xc: {  	[smem:$0x3FB2] =	sst s4  }
0xd: {  	[smem:$0x3FB3] =	sst s5  }
0xe: {  	[smem:$0x3FB4] =	sst s6  }
0xf: {  	[smem:$0x3FB5] =	sst s7  }
0x10: {  	[smem:$0x3FB6] =	sst s8  }
0x11: {  	[smem:$0x3FB7] =	sst s9;
	s0 =	simm.s32 @!p0 $0x0  }
0x12: {  	s1 =	sld [smem:$0x3F9D];
	s0 =	simm.s32 @p0 $0x1  }
0x13: {  	[smem:$0x3FB8] =	sst s0;
	s0 =	simm.s32 @!p1 $0x0  }
0x14: {  	s2 =	sld [smem:$0x3F9C];
	s0 =	simm.s32 @p1 $0x1  }
0x15: {  	[smem:$0x3FB9] =	sst s0;
	s0 =	simm.s32 @!p2 $0x0  }
0x16: {  	s3 =	sld [smem:$0x3FDB];
	s0 =	simm.s32 @p2 $0x1  }
0x17: {  	s4 =	simm.s32 $0x1BF5;
	[smem:$0x3FBB] =	sst s0  }
0x18: {  	s0 =	sld [smem:$0x3F9E];
	_ =	swait.ge [sflag:s4], $0x0  }
0x19: {  	s7 =	sld [smem:$0x3F9F]  }
0x1a: {  	s8 =	sadd.s32 $0xFFFFE003, lr  }
0x1b: {  	s9 =	sadd.s32 $0xFFFFFEF7, lr;
	s5 =	simm.s32 $0xFFFFFFFF;
	p2 =	slt.u32 s8, $0xFFFFF086  }
0x1c: {  	p1 =	slt.u32 s9, $0xF7A;
	s5 =	simm.s32 @!p2 $0x0  }
0x1d: {  	s5 =	simm.s32 @p1 $0x1;
	p0 =	seq.s32 s7, s2  }
0x1e: {  	s7 =	smul.u32 @!p0 $0xF7A, s2;
	p2 =	seq.s32 @!p0 s5, $0x0  }
0x1f: {  	s9 =	smul.u32 $0xF7A, s1;
	s8 =	simm.s32 @!p0 $0x1BF5;
	p2 =	por !p2, p0  }
0x20: {  	[sflag:s8] =	ssyncset.s32 @!p0 $0xFFFFF086;
	s6 =	sadd.s32 @!p0 s3, s7;
	s7 =	simm.s32 @!p0 $0x108  }
0x21: {  	s3 =	sadd.s32 s3, s9;
	s6 =	sadd.s32 @!p0 $0x88, s6;
	s7 =	simm.s32 @p2 $0x1082  }
0x22: {  	[simem:s7], [sflag:s8] =	dma.local @!p0 [hbm:s6], $0xF7A  }
0x23: {  	s9 =	sor.u32 $0xD0000000, s2;
	s6 =	simm.s32 $0x108;
	_ =	swait.ge @!p0 [sflag:s8], $0x0  }
0x24: {  	s3 =	sadd.s32 $0x88, s3;
	s6 =	simm.s32 @!p1 $0x1082;
	[sflag:s4] =	ssyncset.s32 $0xFFFFF086  }
0x25: {  	[simem:s6], [sflag:s4] =	dma.local [hbm:s3], $0xF7A  }
0x26: {  	[smem:$0x3F9F] =	sst s1;
	(tag) =	ssettag s2;
	_ =	strace s9  }
0x27: {  	s1 =	sld [smem:$0x3FAF]  }
0x28: {  	s2 =	sld [smem:$0x3FB0]  }
0x29: {  	s4 =	sld [smem:$0x3FB2]  }
0x2a: {  	p0 =	seq.s32 s5, $0x0;
	s5 =	sld [smem:$0x3FB3]  }
0x2b: {  	s6 =	sld [smem:$0x3FB4]  }
0x2c: {  	s7 =	sld [smem:$0x3FB5]  }
0x2d: {  	s3 =	simm.s32 $0x108;
	s8 =	sld [smem:$0x3FB6]  }
0x2e: {  	s3 =	simm.s32 @!p0 $0x1082;
	s9 =	sld [smem:$0x3FB7]  }
0x2f: {  	lr =	sadd.s32 s0, s3;
	s0 =	sld [smem:$0x3FAE]  }
0x30: {  	s3 =	sld [smem:$0x3FB1]  }
0x31: {  	[smem:$0x3FBA] =	sst s10  }
0x32: {  	s10 =	sld [smem:$0x3FB8];
	_ =	sdelay $0x3  }
0x33: {  	p0 =	seq.s32 s10, $0x1;
	s10 =	sld [smem:$0x3FBA];
	_ =	sdelay $0x3  }
0x34: {  	[smem:$0x3FBA] =	sst s10  }
0x35: {  	s10 =	sld [smem:$0x3FB9];
	_ =	sdelay $0x3  }
0x36: {  	p1 =	seq.s32 s10, $0x1;
	s10 =	sld [smem:$0x3FBA];
	_ =	sdelay $0x3  }
0x37: {  	[smem:$0x3FBA] =	sst s10  }
0x38: {  	s10 =	sld [smem:$0x3FBB]  }
0x39: {  	_ = 	snop;
	(pc) =	sbr.ind lr, $3  }
0x3a: {  	_ = 	snop  }
0x3b: {  	_ = 	snop  }
0x3c: {  	p2 =	seq.s32 s10, $0x1;
	s10 =	sld [smem:$0x3FBA]  }
0x3d: {  	_ =	shalt  }
0x3e: {  	_ =	shalt  }
0x3f: {  	_ =	shalt  }
0x40: {  	_ =	shalt  }
0x41: {  	_ =	shalt  }
0x42: {  	_ =	shalt  }
0x43: {  	_ =	shalt  }
0x44: {  	_ =	shalt  }
0x45: {  	_ =	shalt  }
0x46: {  	_ =	shalt  }
0x47: {  	_ =	shalt  }
0x48: {  	_ =	shalt  }
0x49: {  	_ =	shalt  }
0x4a: {  	_ =	shalt  }
0x4b: {  	_ =	shalt  }
0x4c: {  	_ =	shalt  }
0x4d: {  	_ =	shalt  }
0x4e: {  	_ =	shalt  }
0x4f: {  	_ =	shalt  }
0x50: {  	_ =	shalt  }
0x51: {  	_ =	shalt  }
0x52: {  	_ =	shalt  }
0x53: {  	_ =	shalt  }
0x54: {  	_ =	shalt  }
0x55: {  	_ =	shalt  }
0x56: {  	_ =	shalt  }
0x57: {  	_ =	shalt  }
0x58: {  	_ =	shalt  }
0x59: {  	_ =	shalt  }
0x5a: {  	_ =	shalt  }
0x5b: {  	_ =	shalt  }
0x5c: {  	_ =	shalt  }
0x5d: {  	_ =	shalt  }
0x5e: {  	_ =	shalt  }
0x5f: {  	_ =	shalt  }
0x60: {  	_ =	shalt  }
0x61: {  	_ =	shalt  }
0x62: {  	_ =	shalt  }
0x63: {  	_ =	shalt  }
0x64: {  	_ =	shalt  }
0x65: {  	_ =	shalt  }
0x66: {  	_ =	shalt  }
0x67: {  	_ =	shalt  }
0x68: {  	_ =	shalt  }
0x69: {  	_ =	shalt  }
0x6a: {  	_ =	shalt  }
0x6b: {  	_ =	shalt  }
0x6c: {  	_ =	shalt  }
0x6d: {  	_ =	shalt  }
0x6e: {  	_ =	shalt  }
0x6f: {  	_ =	shalt  }
0x70: {  	_ =	shalt  }
0x71: {  	_ =	shalt  }
0x72: {  	_ =	shalt  }
0x73: {  	_ =	shalt  }
0x74: {  	_ =	shalt  }
0x75: {  	_ =	shalt  }
0x76: {  	_ =	shalt  }
0x77: {  	_ =	shalt  }
0x78: {  	_ =	shalt  }
0x79: {  	_ =	shalt  }
0x7a: {  	_ =	shalt  }
0x7b: {  	_ =	shalt  }
0x7c: {  	_ =	shalt  }
0x7d: {  	_ =	shalt  }
0x7e: {  	_ =	shalt  }
0x7f: {  	_ =	shalt  }
0x80: {  	_ =	shalt  }
0x81: {  	_ =	shalt  }
0x82: {  	_ =	shalt  }
0x83: {  	_ =	shalt  }
0x84: {  	_ =	shalt  }
0x85: {  	_ =	shalt  }
0x86: {  	_ =	shalt  }
0x87: {  	_ =	shalt  }
.Lfunc_end0:
.L_simem_size_0:
called_computation.1_lowered:
.L_overlay_start_0:
0x88: {  	s2 =	sld [smem:$0x3FD9]  }
0x89: {  	s3 =	sld [smem:$0x3FFE];
	_ =	sdelay $0x1  }
0x8a: {  	s1 =	srdreg.scid  }
0x8b: {  	s0 =	sand.u32 $0x1, s1  }
0x8c: {  	s17 =	sshll.u32 s0, $0xA;
	s2 =	sadd.s32 s3, s2  }
0x8d: {  	s2 =	sadd.s32 s2, s17  }
0x8e: {  	[smem:$0x3FC6] =	sst s2  }
0x8f: {  	_ = 	snop  }
0x90: {  	s2 =	sld [smem:$0x3FD0];
	(tm) =	ssettm $0x1  }
0x91: {  	s18 =	sld [smem:$0x3FFB];
	_ =	sdelay $0x3  }
0x92: {  	_ =	strace s18  }
0x93: {  	s3 =	sld [smem:$0x3FFC];
	_ =	sdelay $0x3  }
0x94: {  	_ =	strace s3  }
0x95: {  	s3 =	sld [smem:$0x3FFD];
	_ =	sdelay $0x3  }
0x96: {  	_ =	strace s3  }
0x97: {  	_ =	strace $0x8FFFFFFF  }
0x98: {  	s19 =	sld [smem:$0x3FDB];
	_ =	sdelay $0x1  }
0x99: {  	s4 =	simm.s32 $_scs_section_size  }
0x9a: {  	s5 =	simm.s32 $_size__tile_overlayer_lowered;
	s6 =	simm.s32 $_tile_overlayer_lowered  }
0x9b: {  	s22 =	simm.s32 $0x1BFF;
	s21 =	sshll.u32 s6, $0x1;
	s3 =	sadd.s32 s4, s19  }
0x9c: {  	s7 =	simm.s32 $0x0;
	s20 =	sshll.u32 s5, $0x1;
	s5 =	sadd.s32 s21, s3  }
0x9d: {  	[timem:s7], [sflag:s22] =	dma.local [hbm:s5], s20  }
0x9e: {  	_ =	swait.ge [sflag:s22], s20  }
0x9f: {  	s4 =	ssub.s32 $0x0, s20;
	[sflag:s22] =	ssyncset.done $0x0  }
0xa0: {  	[sflag:s22] =	ssyncadd.s32 s4;
	_ =	sdelay $0x1  }
0xa1: {  	s23 =	simm.s32 $0x1B8B  }
0xa2: {  	_ =	swait.ge [sflag:s23], $0x1  }
0xa3: {  	[sflag:s23] =	ssyncset.done $0x0  }
0xa4: {  	s25 =	simm.s32 $0x1B8E;
	s24 =	sld [smem:$0x3FFE];
	[sflag:s23] =	ssyncadd.s32 $0xFFFFFFFF  }
0xa5: {  	s26 =	simm.s32 $execute0_lowered;
	[smem:$0x3FD2] =	sst s25  }
0xa6: {  	s5 =	sshll.u32 s26, $0x1;
	_ =	strace $0x80000046;
	[dreg:$0x1] =	wrdreg $0xFFFFFFFF  }
0xa7: {  	s28 =	simm.s32 $_size_execute0_lowered;
	s3 =	sadd.s32 s3, s5;
	[dreg:$0x0] =	wrdreg $0x0  }
0xa8: {  	s5 =	sshll.u32 s28, $0x1;
	[dreg:$0x2] =	wrdreg s3  }
0xa9: {  	[dreg:$0x3] =	wrdreg s5  }
0xaa: {  	[dreg:$0x4] =	wrdreg $0xC0  }
0xab: {  	_ =	task [dreg:s7], $0x5FFFF  }
0xac: {  	[dreg:$0x1] =	wrdreg $0xFFFFFFFF  }
0xad: {  	[dreg:$0x0] =	wrdreg $0x60  }
0xae: {  	[dreg:$0x2] =	wrdreg s24  }
0xaf: {  	[dreg:$0x3] =	wrdreg s2  }
0xb0: {  	[dreg:$0x4] =	wrdreg $0x9  }
0xb1: {  	_ =	task.clear_ibuf [dreg:s7], $0x5FFFF;
	_ =	strace $0x90000046  }
0xb2: {  	s29 =	simm.s32 $0x9;
	_ =	strace $0x80000048  }
0xb3: {  	_ =	swait.ge [sflag:s29], $0x1  }
0xb4: {  	[sflag:s29] =	ssyncadd.s32 $0xFFFFFFFF  }
0xb5: {  	_ =	strace $0x90000048  }
0xb6: {  	_ =	sfence  }
0xb7: {  	s30 =	sld [smem:$0x0];
	_ =	sdelay $0x2  }
0xb8: {  	s31 =	sshll.u32 s1, $0xD;
	s1 =	sshrl.u32 s1, $0x2  }
0xb9: {  	s3 =	sand.u32 $0x4000, s31;
	s1 =	sadd.s32 s1, s30  }
0xba: {  	s0 =	sor.u32 s3, s0;
	s1 =	sshll.u32 s1, $0x11  }
0xbb: {  	s0 =	sor.u32 s1, s0  }
0xbc: {  	s0 =	sadd.s32 $0x8F2B, s0  }
0xbd: {  	[sflag:s0] =	ssyncadd.remote.s32 $0x1  }
0xbe: {  	_ =	sfence.sel $0xFFFF  }
0xbf: {  	[dreg:$0x0] =	wrdreg $0xFFFFFFFF;
	(pc) =	sbr.abs _section_cstart, $3  }
0xc0: {  	[dreg:$0x1] =	wrdreg $0xFFFFFFFF  }
0xc1: {  	_ =	task.clear_ibuf [dreg:s7], $0x2FFFF;
	_ =	strace $0x9FFFFFFF  }
0xc2: {  	(tm) =	ssettm $0x7FFFFFFF  }
0xc3: {  	_ =	shalt  }
tec
execute0_lowered:
.L_overlay_start_1:
0x0: {  	(tag) =	ssettag $0x1  }
0x1: {  	s6 =	rddreg [dreg:$0x0]  }
0x2: {  	s1 =	srdreg.scid;
	s0 =	stileid.u32  }
0x3: {  	s2 =	rddreg [dreg:$0x1];
	s3 =	simm.s32 $0x0;
	s11 =	simm.s32 $0x100  }
0x4: {  	s12 =	simm.s32 $0x200;
	s13 =	simm.s32 $0x2;
	s14 =	simm.s32 $0x10200  }
0x5: {  	s15 =	simm.s32 $0x8200;
	s16 =	simm.s32 $0x1;
	s17 =	simm.s32 $0x0  }
0x6: {  	s7 =	sand.u32 $0x1, s1;
	s4 =	sshll.u32 s0, $0x1;
	s1 =	rddreg [dreg:$0x2]  }
.Ltmp0:
0x7: {  	[smem:$0x7FF] =	sst s3;
	s8 =	sor.u32 s7, s4;
	(pc) =	sbr.rel .LBB2_1-.Ltmp0, $4  }
0x8: {  	s5 =	sadd.s32 $0x800, s6;
	s7 =	ssub.s32 $0x2, s7;
	s4 =	smul.u32 $0x6400, s8  }
0x9: {  	s6 =	sadd.s32 $0xF50800, s6;
	_ =	strace $0x80000047;
	s9 =	sshrl.u32 s7, $0x1  }
0xa: {  	s8 =	smul.u32 $0x320000, s8;
	s9 =	ssub.s32 s7, s9;
	s10 =	sshrl.u32 s4, $0x3  }
0xb: {  	s9 =	smax.u32 s9, $0x1;
	s7 =	sadd.s32 s2, s10;
	s10 =	simm.s32 $0x3  }
.LBB2_12:
0xc: {  	s17 =	sadd.s32 $0x1, s17  }
0xd: {  	p0 =	sne.s32 s17, s9  }
.Ltmp1:
0xe: {  	_ = 	snop;
	(pc) =	sbr.rel @!p0 .LBB2_13-.Ltmp1, $1  }
0xf: {  	_ =	sdelay $0x3  }
.LBB2_1:
0x10: {  	[tilespmem:s3], [sflag:$0x3] =	stream.linear.gather [hbm4b:s7+s3], $0x100, $0x38;
	[tilespmem:$0x18200] =	vst v63  }
.Ltmp2:
0x11: {  	_ = 	snop;
	(pc) =	sbr.rel .LBB2_2-.Ltmp2, $4  }
0x12: {  	_ =	swait.ge [sflag:s10], $0x100  }
0x13: {  	[sflag:s10] =	ssyncset.done $0x0  }
0x14: {  	s19 =	simm.s32 $0x0;
	[sflag:s10] =	ssyncadd.s32 $0xFFFFFF00  }
0x15: {  	[tilespmem:s12], [sflag:$0x1] =	stream.indirect.gather [hbm4b:s5+s11], $0x80, s3, s11, $0xb8;
	[tilespmem:$0x18200] =	vst v63  }
.LBB2_10:
0x16: {  	v5 =	vld [tilespmem:s21+$0x3B0];
	[tilespmem:s20+$0x10320] =	vst v0  }
0x17: {  	v0 =	vld [tilespmem:s21+$0x200];
	[tilespmem:s20+$0x10330] =	vst v1  }
0x18: {  	v1 =	vld [tilespmem:s21+$0x210];
	[tilespmem:s20+$0x10380] =	vst v2  }
0x19: {  	v2 =	vld [tilespmem:s21+$0x220];
	[tilespmem:s20+$0x10390] =	vst v3  }
0x1a: {  	v3 =	vld [tilespmem:s21+$0x230];
	[tilespmem:s20+$0x103A0] =	vst v4  }
0x1b: {  	v4 =	vld [tilespmem:s21+$0x280];
	[tilespmem:s21+$0x103B0] =	vst v5  }
0x1c: {  	v54 =	vld [tilespmem:s21+$0x290];
	[tilespmem:s21+$0x10200] =	vst v0  }
0x1d: {  	v55 =	vld [tilespmem:s21+$0x2A0];
	[tilespmem:s21+$0x10210] =	vst v1  }
0x1e: {  	v56 =	vld [tilespmem:s21+$0x2B0];
	[tilespmem:s21+$0x10220] =	vst v2  }
0x1f: {  	v57 =	vld [tilespmem:s21+$0x300];
	[tilespmem:s21+$0x10230] =	vst v3  }
0x20: {  	v58 =	vld [tilespmem:s21+$0x310];
	[tilespmem:s21+$0x10280] =	vst v4  }
0x21: {  	v59 =	vld [tilespmem:s21+$0x320];
	[tilespmem:s21+$0x10290] =	vst v54  }
0x22: {  	v60 =	vld [tilespmem:s21+$0x330];
	[tilespmem:s21+$0x102A0] =	vst v55  }
0x23: {  	v61 =	vld [tilespmem:s21+$0x380];
	[tilespmem:s21+$0x102B0] =	vst v56  }
0x24: {  	v62 =	vld [tilespmem:s21+$0x390];
	[tilespmem:s21+$0x10300] =	vst v57  }
0x25: {  	v63 =	vld [tilespmem:s21+$0x3A0];
	[tilespmem:s21+$0x10310] =	vst v58  }
0x26: {  	[tilespmem:s21+$0x10320] =	vst v59  }
0x27: {  	[tilespmem:s21+$0x10330] =	vst v60  }
0x28: {  	[tilespmem:s21+$0x10380] =	vst v61  }
0x29: {  	[tilespmem:s21+$0x10390] =	vst v62  }
0x2a: {  	[tilespmem:s21+$0x103A0] =	vst v63  }
.LBB2_11:
0x2b: {  	s19 =	sshll.u32 s19, $0xF  }
0x2c: {  	s19 =	sadd.s32 s8, s19  }
0x2d: {  	p0 =	sne.s32 s18, $0x64;
	s19 =	sshrl.u32 s19, $0x3  }
.Ltmp3:
0x2e: {  	s19 =	sadd.s32 s6, s19;
	(pc) =	sbr.rel @!p0 .LBB2_12-.Ltmp3, $4  }
0x2f: {  	[hbm4b:s19+s3] =	stream.linear.scatter [tilespmem:s14], [sflag:$0x3], $0x8000, $0x38;
	[tilespmem:$0x18200] =	vst v63  }
0x30: {  	_ =	swait.ge [sflag:s10], $0x8000  }
0x31: {  	[sflag:s10] =	ssyncset.done $0x0  }
0x32: {  	s19 =	smov.u32 s18;
	[sflag:s10] =	ssyncadd.s32 $0xFFFF8000  }
.LBB2_2:
0x33: {  	p0 =	seq.s32 s19, $0x63  }
.Ltmp4:
0x34: {  	_ = 	snop;
	(pc) =	sbr.rel @p0 .LBB2_5-.Ltmp4, $2  }
0x35: {  	_ =	sdelay $0x2  }
0x36: {  	s18 =	sadd.s32 $0x1, s19  }
0x37: {  	s21 =	sand.u32 $0x1, s19  }
0x38: {  	p0 =	seq.s32 s21, $0x0  }
.Ltmp5:
0x39: {  	_ = 	snop;
	(pc) =	sbr.rel @p0 .LBB2_8-.Ltmp5, $4  }
0x3a: {  	s20 =	sshll.u32 s18, $0x8  }
0x3b: {  	s20 =	sadd.s32 s4, s20  }
0x3c: {  	s20 =	sshrl.u32 s20, $0x3  }
0x3d: {  	s20 =	sadd.s32 s2, s20  }
0x3e: {  	[tilespmem:s3], [sflag:$0x3] =	stream.linear.gather [hbm4b:s20+s3], $0x100, $0x38;
	[tilespmem:$0x18200] =	vst v63  }
0x3f: {  	_ =	swait.ge [sflag:s10], $0x100  }
0x40: {  	[sflag:s10] =	ssyncset.done $0x0  }
0x41: {  	[sflag:s10] =	ssyncadd.s32 $0xFFFFFF00  }
0x42: {  	[tilespmem:s12], [sflag:$0x1] =	stream.indirect.gather [hbm4b:s5+s11], $0x80, s3, s11, $0xb8;
	[tilespmem:$0x18200] =	vst v63  }
.LBB2_5:
0x43: {  	_ =	swait.ge [sflag:s13], $0x8000  }
0x44: {  	[sflag:s13] =	ssyncset.done $0x0  }
0x45: {  	s20 =	simm.s32 $0x0;
	[sflag:s13] =	ssyncadd.s32 $0xFFFF8000  }
0x46: {  	v0 =	vld [tilespmem:s20+$0x83B0]  }
0x47: {  	v1 =	vld [tilespmem:s20+$0x8200]  }
0x48: {  	v2 =	vld [tilespmem:s20+$0x8210]  }
0x49: {  	v3 =	vld [tilespmem:s20+$0x8220]  }
0x4a: {  	v4 =	vld [tilespmem:s20+$0x8230]  }
0x4b: {  	v5 =	vld [tilespmem:s20+$0x8280];
	[tilespmem:s20+$0x103B0] =	vst v0  }
0x4c: {  	[tilespmem:s20+$0x10200] =	vst v1;
	v0 =	vld [tilespmem:s20+$0x8290]  }
0x4d: {  	[tilespmem:s20+$0x10210] =	vst v2;
	v1 =	vld [tilespmem:s20+$0x82A0]  }
0x4e: {  	[tilespmem:s20+$0x10220] =	vst v3;
	v2 =	vld [tilespmem:s20+$0x82B0]  }
0x4f: {  	[tilespmem:s20+$0x10230] =	vst v4;
	v3 =	vld [tilespmem:s20+$0x8300]  }
0x50: {  	[tilespmem:s20+$0x10280] =	vst v5;
	v4 =	vld [tilespmem:s20+$0x8310]  }
0x51: {  	[tilespmem:s20+$0x10290] =	vst v0;
	v0 =	vld [tilespmem:s20+$0x8320]  }
0x52: {  	[tilespmem:s20+$0x102A0] =	vst v1;
	v1 =	vld [tilespmem:s20+$0x8330]  }
0x53: {  	[tilespmem:s20+$0x102B0] =	vst v2;
	v2 =	vld [tilespmem:s20+$0x8380]  }
0x54: {  	[tilespmem:s20+$0x10300] =	vst v3;
	v3 =	vld [tilespmem:s20+$0x8390]  }
0x55: {  	s21 =	simm.s32 $0x200;
	s22 =	simm.s32 $0x1000;
	[tilespmem:s20+$0x10310] =	vst v4;
	v4 =	vld [tilespmem:s20+$0x83A0]  }
.LBB2_6:
0x56: {  	p0 =	sne.s32 s22, $0x1F800;
	v5 =	vld [tilespmem:s21+$0x83B0];
	[tilespmem:s20+$0x10320] =	vst v0  }
0x57: {  	v0 =	vld [tilespmem:s21+$0x8200];
	[tilespmem:s20+$0x10330] =	vst v1  }
0x58: {  	v1 =	vld [tilespmem:s21+$0x8210];
	[tilespmem:s20+$0x10380] =	vst v2  }
0x59: {  	v2 =	vld [tilespmem:s21+$0x8220];
	[tilespmem:s20+$0x10390] =	vst v3  }
0x5a: {  	v3 =	vld [tilespmem:s21+$0x8230];
	[tilespmem:s20+$0x103A0] =	vst v4;
	s20 =	smov.u32 s21  }
0x5b: {  	v4 =	vld [tilespmem:s20+$0x8280];
	[tilespmem:s20+$0x103B0] =	vst v5  }
0x5c: {  	[tilespmem:s20+$0x10200] =	vst v0;
	v0 =	vld [tilespmem:s20+$0x8290]  }
0x5d: {  	[tilespmem:s20+$0x10210] =	vst v1;
	v1 =	vld [tilespmem:s20+$0x82A0]  }
0x5e: {  	[tilespmem:s20+$0x10220] =	vst v2;
	v2 =	vld [tilespmem:s20+$0x82B0]  }
0x5f: {  	[tilespmem:s20+$0x10230] =	vst v3;
	v3 =	vld [tilespmem:s20+$0x8300]  }
0x60: {  	[tilespmem:s20+$0x10280] =	vst v4;
	v4 =	vld [tilespmem:s20+$0x8310]  }
.Ltmp6:
0x61: {  	[tilespmem:s20+$0x10290] =	vst v0;
	v0 =	vld [tilespmem:s20+$0x8320];
	(pc) =	sbr.rel @p0 .LBB2_6-.Ltmp6, $4  }
0x62: {  	[tilespmem:s20+$0x102A0] =	vst v1;
	v1 =	vld [tilespmem:s20+$0x8330]  }
0x63: {  	[tilespmem:s20+$0x102B0] =	vst v2;
	v2 =	vld [tilespmem:s20+$0x8380]  }
0x64: {  	[tilespmem:s20+$0x10300] =	vst v3;
	v3 =	vld [tilespmem:s20+$0x8390]  }
0x65: {  	s21 =	sshra.s32 s22, $0x2;
	s22 =	sadd.s32 $0x800, s22;
	[tilespmem:s20+$0x10310] =	vst v4;
	v4 =	vld [tilespmem:s20+$0x83A0]  }
0x66: {  	v5 =	vld [tilespmem:s21+$0x83B0];
	[tilespmem:s20+$0x10320] =	vst v0  }
0x67: {  	v0 =	vld [tilespmem:s21+$0x8200];
	[tilespmem:s20+$0x10330] =	vst v1  }
0x68: {  	v1 =	vld [tilespmem:s21+$0x8210];
	[tilespmem:s20+$0x10380] =	vst v2  }
0x69: {  	v2 =	vld [tilespmem:s21+$0x8220];
	[tilespmem:s20+$0x10390] =	vst v3  }
0x6a: {  	v3 =	vld [tilespmem:s21+$0x8230];
	[tilespmem:s20+$0x103A0] =	vst v4  }
0x6b: {  	v4 =	vld [tilespmem:s21+$0x8280];
	[tilespmem:s21+$0x103B0] =	vst v5  }
0x6c: {  	v54 =	vld [tilespmem:s21+$0x8290];
	[tilespmem:s21+$0x10200] =	vst v0  }
0x6d: {  	v55 =	vld [tilespmem:s21+$0x82A0];
	[tilespmem:s21+$0x10210] =	vst v1  }
0x6e: {  	v56 =	vld [tilespmem:s21+$0x82B0];
	[tilespmem:s21+$0x10220] =	vst v2  }
0x6f: {  	v57 =	vld [tilespmem:s21+$0x8300];
	[tilespmem:s21+$0x10230] =	vst v3  }
0x70: {  	v58 =	vld [tilespmem:s21+$0x8310];
	[tilespmem:s21+$0x10280] =	vst v4  }
0x71: {  	v59 =	vld [tilespmem:s21+$0x8320];
	[tilespmem:s21+$0x10290] =	vst v54  }
0x72: {  	v60 =	vld [tilespmem:s21+$0x8330];
	[tilespmem:s21+$0x102A0] =	vst v55  }
0x73: {  	v61 =	vld [tilespmem:s21+$0x8380];
	[tilespmem:s21+$0x102B0] =	vst v56  }
0x74: {  	v62 =	vld [tilespmem:s21+$0x8390];
	[tilespmem:s21+$0x10300] =	vst v57  }
0x75: {  	v63 =	vld [tilespmem:s21+$0x83A0];
	[tilespmem:s21+$0x10310] =	vst v58  }
.Ltmp7:
0x76: {  	[tilespmem:s21+$0x10320] =	vst v59;
	(pc) =	sbr.rel .LBB2_11-.Ltmp7, $4  }
0x77: {  	[tilespmem:s21+$0x10330] =	vst v60  }
0x78: {  	[tilespmem:s21+$0x10380] =	vst v61  }
0x79: {  	[tilespmem:s21+$0x10390] =	vst v62  }
0x7a: {  	[tilespmem:s21+$0x103A0] =	vst v63  }
.LBB2_8:
0x7b: {  	s21 =	simm.s32 $0x0  }
0x7c: {  	[tilespmem:s11], [sflag:$0x3] =	stream.linear.gather [hbm4b:s20+s21], $0x100, $0x38;
	[tilespmem:$0x18200] =	vst v63  }
0x7d: {  	_ =	swait.ge [sflag:s10], $0x100  }
0x7e: {  	[sflag:s10] =	ssyncset.done $0x0  }
0x7f: {  	[sflag:s10] =	ssyncadd.s32 $0xFFFFFF00  }
0x80: {  	[tilespmem:s15], [sflag:$0x2] =	stream.indirect.gather [hbm4b:s5+s11], $0x80, s11, s11, $0xb8;
	[tilespmem:$0x18200] =	vst v63  }
0x81: {  	_ =	swait.ge [sflag:s16], $0x8000  }
0x82: {  	[sflag:s16] =	ssyncset.done $0x0  }
0x83: {  	s20 =	simm.s32 $0x0;
	[sflag:s16] =	ssyncadd.s32 $0xFFFF8000  }
0x84: {  	v0 =	vld [tilespmem:s20+$0x3B0]  }
0x85: {  	v1 =	vld [tilespmem:s20+$0x200]  }
0x86: {  	v2 =	vld [tilespmem:s20+$0x210]  }
0x87: {  	v3 =	vld [tilespmem:s20+$0x220]  }
0x88: {  	v4 =	vld [tilespmem:s20+$0x230]  }
0x89: {  	v5 =	vld [tilespmem:s20+$0x280];
	[tilespmem:s20+$0x103B0] =	vst v0  }
0x8a: {  	[tilespmem:s20+$0x10200] =	vst v1;
	v0 =	vld [tilespmem:s20+$0x290]  }
0x8b: {  	[tilespmem:s20+$0x10210] =	vst v2;
	v1 =	vld [tilespmem:s20+$0x2A0]  }
0x8c: {  	[tilespmem:s20+$0x10220] =	vst v3;
	v2 =	vld [tilespmem:s20+$0x2B0]  }
0x8d: {  	[tilespmem:s20+$0x10230] =	vst v4;
	v3 =	vld [tilespmem:s20+$0x300]  }
0x8e: {  	[tilespmem:s20+$0x10280] =	vst v5;
	v4 =	vld [tilespmem:s20+$0x310]  }
0x8f: {  	[tilespmem:s20+$0x10290] =	vst v0;
	v0 =	vld [tilespmem:s20+$0x320]  }
0x90: {  	[tilespmem:s20+$0x102A0] =	vst v1;
	v1 =	vld [tilespmem:s20+$0x330]  }
0x91: {  	[tilespmem:s20+$0x102B0] =	vst v2;
	v2 =	vld [tilespmem:s20+$0x380]  }
0x92: {  	[tilespmem:s20+$0x10300] =	vst v3;
	v3 =	vld [tilespmem:s20+$0x390]  }
0x93: {  	s22 =	simm.s32 $0x1000;
	s21 =	simm.s32 $0x200;
	[tilespmem:s20+$0x10310] =	vst v4;
	v4 =	vld [tilespmem:s20+$0x3A0]  }
.LBB2_9:
0x94: {  	p0 =	seq.s32 s22, $0x1F800;
	v5 =	vld [tilespmem:s21+$0x3B0];
	[tilespmem:s20+$0x10320] =	vst v0  }
0x95: {  	v0 =	vld [tilespmem:s21+$0x200];
	[tilespmem:s20+$0x10330] =	vst v1  }
0x96: {  	v1 =	vld [tilespmem:s21+$0x210];
	[tilespmem:s20+$0x10380] =	vst v2  }
0x97: {  	v2 =	vld [tilespmem:s21+$0x220];
	[tilespmem:s20+$0x10390] =	vst v3  }
0x98: {  	v3 =	vld [tilespmem:s21+$0x230];
	[tilespmem:s20+$0x103A0] =	vst v4;
	s20 =	smov.u32 s21  }
0x99: {  	v4 =	vld [tilespmem:s20+$0x280];
	[tilespmem:s20+$0x103B0] =	vst v5  }
0x9a: {  	[tilespmem:s20+$0x10200] =	vst v0;
	v0 =	vld [tilespmem:s20+$0x290]  }
0x9b: {  	[tilespmem:s20+$0x10210] =	vst v1;
	v1 =	vld [tilespmem:s20+$0x2A0]  }
0x9c: {  	[tilespmem:s20+$0x10220] =	vst v2;
	v2 =	vld [tilespmem:s20+$0x2B0]  }
0x9d: {  	[tilespmem:s20+$0x10230] =	vst v3;
	v3 =	vld [tilespmem:s20+$0x300]  }
0x9e: {  	[tilespmem:s20+$0x10280] =	vst v4;
	v4 =	vld [tilespmem:s20+$0x310]  }
.Ltmp8:
0x9f: {  	[tilespmem:s20+$0x10290] =	vst v0;
	v0 =	vld [tilespmem:s20+$0x320];
	(pc) =	sbr.rel @!p0 .LBB2_9-.Ltmp8, $4  }
0xa0: {  	[tilespmem:s20+$0x102A0] =	vst v1;
	v1 =	vld [tilespmem:s20+$0x330]  }
0xa1: {  	[tilespmem:s20+$0x102B0] =	vst v2;
	v2 =	vld [tilespmem:s20+$0x380]  }
0xa2: {  	[tilespmem:s20+$0x10300] =	vst v3;
	v3 =	vld [tilespmem:s20+$0x390]  }
0xa3: {  	s21 =	sshra.s32 s22, $0x2;
	s22 =	sadd.s32 $0x800, s22;
	[tilespmem:s20+$0x10310] =	vst v4;
	v4 =	vld [tilespmem:s20+$0x3A0]  }
.Ltmp9:
0xa4: {  	_ = 	snop;
	(pc) =	sbr.rel .LBB2_10-.Ltmp9, $1  }
0xa5: {  	_ =	sdelay $0x3  }
.LBB2_13:
0xa6: {  	_ =	sfence.sel $0x180000  }
0xa7: {  	[bflag:$0x0] =	sbarrier.arrive $0xFFFF  }
0xa8: {  	p0 =	sne.s32 s0, $0x0;
	_ =	strace $0x90000047  }
0xa9: {  	s0 =	sadd.s32 @!p0 $0x100000, s1;
	[bflag:$0x2] =	sbarrier.arrive $0xFFFF  }
0xaa: {  	[sflag:s0] =	ssyncadd.tile.s32 @!p0 $0x1;
	_ =	shalt  }
.Lfunc_end2:
_tile_overlayer_lowered:
.L_overlay_start_2:
0xab: {  	(tag) =	ssettag $0x2  }
0xac: {  	s0 =	rddreg [dreg:$0x0];
	s2 =	stileid.u32  }
0xad: {  	s1 =	rddreg [dreg:$0x1];
	p0 =	sne.s32 s2, $0x0  }
0xae: {  	s3 =	rddreg [dreg:$0x2];
	[bflag:$0x3] =	sbarrier.arrive $0xFFFF;
	s2 =	simm.s32 @!p0 $0x1C03  }
0xaf: {  	[timem:s3], [sflag:s2] =	dma.local @!p0 [hbm:s0], s1  }
0xb0: {  	s0 =	simm.s32 @!p0 $0x3  }
0xb1: {  	_ =	swait.ge @!p0 [sflag:s0], s1  }
0xb2: {  	s1 =	ssub.s32 @!p0 $0x0, s1;
	[sflag:s0] =	ssyncset.done @!p0 $0x0  }
0xb3: {  	[sflag:s0] =	ssyncadd.s32 @!p0 s1  }
0xb4: {  	[bflag:$0x3] =	sbarrier.arrive $0xFFFF  }
0xb5: {  	_ =	shalt  }

// kernel: sparse-core-data-format-call.cloned.1.call-start
scs
called_computation_lowered:
.L_overlay_start_0:
0x0: {  	s2 =	sld [smem:$0x3FD9]  }
0x1: {  	s3 =	sld [smem:$0x3FFE];
	_ =	sdelay $0x1  }
0x2: {  	s1 =	srdreg.scid  }
0x3: {  	s0 =	sand.u32 $0x1, s1  }
0x4: {  	s18 =	sshll.u32 s0, $0xA;
	s2 =	sadd.s32 s3, s2  }
0x5: {  	s2 =	sadd.s32 s2, s18  }
0x6: {  	[smem:$0x3FC6] =	sst s2  }
0x7: {  	_ = 	snop  }
0x8: {  	s2 =	sld [smem:$0x3FD0];
	(tm) =	ssettm $0x1  }
0x9: {  	s19 =	sld [smem:$0x3FFB];
	_ =	sdelay $0x3  }
0xa: {  	_ =	strace s19  }
0xb: {  	s3 =	sld [smem:$0x3FFC];
	_ =	sdelay $0x3  }
0xc: {  	_ =	strace s3  }
0xd: {  	s3 =	sld [smem:$0x3FFD];
	_ =	sdelay $0x3  }
0xe: {  	_ =	strace s3  }
0xf: {  	_ =	strace $0x8FFFFFFF  }
0x10: {  	s20 =	sld [smem:$0x3FDB];
	_ =	sdelay $0x1  }
0x11: {  	s4 =	simm.s32 $_scs_section_size  }
0x12: {  	s5 =	simm.s32 $_size__tile_overlayer_lowered;
	s6 =	simm.s32 $_tile_overlayer_lowered  }
0x13: {  	s23 =	simm.s32 $0x1BFF;
	s22 =	sshll.u32 s6, $0x1;
	s3 =	sadd.s32 s4, s20  }
0x14: {  	s7 =	simm.s32 $0x0;
	s21 =	sshll.u32 s5, $0x1;
	s5 =	sadd.s32 s22, s3  }
0x15: {  	[timem:s7], [sflag:s23] =	dma.local [hbm:s5], s21  }
0x16: {  	_ =	swait.ge [sflag:s23], s21  }
0x17: {  	s4 =	ssub.s32 $0x0, s21;
	[sflag:s23] =	ssyncset.done $0x0  }
0x18: {  	[sflag:s23] =	ssyncadd.s32 s4;
	_ =	sdelay $0x1  }
0x19: {  	s24 =	simm.s32 $0x1B8B  }
0x1a: {  	_ =	swait.ge [sflag:s24], $0x1  }
0x1b: {  	[sflag:s24] =	ssyncset.done $0x0  }
0x1c: {  	s26 =	simm.s32 $0x1B8E;
	s25 =	sld [smem:$0x3FFE];
	[sflag:s24] =	ssyncadd.s32 $0xFFFFFFFF  }
0x1d: {  	s27 =	simm.s32 $execute0_lowered;
	[smem:$0x3FD2] =	sst s26  }
0x1e: {  	s5 =	sshll.u32 s27, $0x1;
	_ =	strace $0x80000049;
	[dreg:$0x1] =	wrdreg $0xFFFFFFFF  }
0x1f: {  	s28 =	simm.s32 $_size_execute0_lowered;
	s3 =	sadd.s32 s3, s5;
	[dreg:$0x0] =	wrdreg $0x0  }
0x20: {  	s5 =	sshll.u32 s28, $0x1;
	[dreg:$0x2] =	wrdreg s3  }
0x21: {  	[dreg:$0x3] =	wrdreg s5  }
0x22: {  	[dreg:$0x4] =	wrdreg $0xC0  }
0x23: {  	_ =	task [dreg:s7], $0x5FFFF  }
0x24: {  	[dreg:$0x1] =	wrdreg $0xFFFFFFFF  }
0x25: {  	[dreg:$0x0] =	wrdreg $0x60  }
0x26: {  	[dreg:$0x2] =	wrdreg s25  }
0x27: {  	[dreg:$0x3] =	wrdreg s2  }
0x28: {  	[dreg:$0x4] =	wrdreg $0x9  }
0x29: {  	_ =	task.clear_ibuf [dreg:s7], $0x5FFFF;
	_ =	strace $0x90000049  }
0x2a: {  	s29 =	simm.s32 $0x9;
	_ =	strace $0x8000004B  }
0x2b: {  	_ =	swait.ge [sflag:s29], $0x1  }
0x2c: {  	[sflag:s29] =	ssyncadd.s32 $0xFFFFFFFF  }
0x2d: {  	_ =	strace $0x9000004B  }
0x2e: {  	_ =	sfence  }
0x2f: {  	s30 =	sld [smem:$0x0];
	_ =	sdelay $0x2  }
0x30: {  	s31 =	sshll.u32 s1, $0xD;
	s1 =	sshrl.u32 s1, $0x2  }
0x31: {  	s3 =	sand.u32 $0x4000, s31;
	s1 =	sadd.s32 s1, s30  }
0x32: {  	s0 =	sor.u32 s3, s0;
	s1 =	sshll.u32 s1, $0x11  }
0x33: {  	s0 =	sor.u32 s1, s0  }
0x34: {  	s0 =	sadd.s32 $0x8F2B, s0  }
0x35: {  	[sflag:s0] =	ssyncadd.remote.s32 $0x1  }
0x36: {  	_ =	sfence.sel $0xFFFF  }
0x37: {  	[dreg:$0x0] =	wrdreg $0xFFFFFFFF;
	(pc) =	sbr.abs _section_cstart, $3  }
0x38: {  	[dreg:$0x1] =	wrdreg $0xFFFFFFFF  }
0x39: {  	_ =	task.clear_ibuf [dreg:s7], $0x2FFFF;
	_ =	strace $0x9FFFFFFF  }
0x3a: {  	(tm) =	ssettm $0x7FFFFFFF  }
0x3b: {  	_ =	shalt  }
tec
execute0_lowered:
.L_overlay_start_1:
0x0: {  	(tag) =	ssettag $0x1  }
0x1: {  	s0 =	srdreg.scid  }
0x2: {  	s1 =	sshll.u32 s0, $0x4  }
0x3: {  	s0 =	stileid.u32;
	s1 =	sand.u32 $0x10, s1  }
0x4: {  	s1 =	sor.u32 s0, s1  }
0x5: {  	s6 =	rddreg [dreg:$0x0];
	s4 =	simm.s32 $0x1;
	s2 =	sshll.u32 s1, $0x7  }
0x6: {  	s7 =	simm.s32 $0x2;
	s12 =	simm.s32 $0x0;
	s1 =	ssub.s32 $0x1000, s2  }
0x7: {  	s8 =	simm.s32 $0x8000;
	s13 =	simm.s32 $0x0;
	s3 =	sand.u32 $0xF80, s1  }
0x8: {  	s9 =	simm.s32 $0x0;
	s5 =	sshrl.u32 s1, $0xC;
	p0 =	sne.s32 s3, $0x0  }
.Ltmp0:
0x9: {  	s1 =	rddreg [dreg:$0x2];
	s4 =	simm.s32 @!p0 $0x0;
	(pc) =	sbr.rel .LBB1_1-.Ltmp0, $4  }
0xa: {  	s11 =	simm.s32 $0x0;
	s3 =	rddreg [dreg:$0x1];
	s5 =	sadd.s32 s4, s5  }
0xb: {  	_ =	strace $0x8000004A;
	s4 =	simm.s32 $0x1;
	s5 =	smul.u32 $0xC8, s5  }
0xc: {  	s6 =	sadd.s32 $0xF50800, s6;
	s10 =	smov.u32 s2;
	[sflag:s4] =	ssyncpa.u1 $0x0  }
0xd: {  	p0 =	por $0x0, $0x0;
	[sflag:s7] =	ssyncpa.u1 $0x0;
	s7 =	sor.u32 $0x1, s5  }
.LBB1_4:
0xe: {  	s16 =	sshll.u32 s13, $0x3;
	s17 =	sand.u32 $0x78, s13  }
0xf: {  	s30 =	sand.u32 $0x7E00, s13;
	s12 =	sshll.u32 s12, $0xF;
	s16 =	sand.u32 $0xC00, s16  }
0x10: {  	[tilespmem:s15+$0x810 ss:$0x81] =	vst.msk $0xffff, v2;
	s31 =	sand.u32 $0x7, s13;
	s16 =	sor.u32 s17, s16;
	s17 =	sadd.s32 s3, s30  }
0x11: {  	[tilespmem:s15+$0x1020 ss:$0x81] =	vst.msk $0xffff, v0;
	s13 =	sshll.u32 s31, $0x12;
	s12 =	sadd.s32 s12, s17;
	s16 =	sshrl.u32 s16, $0x3  }
0x12: {  	[tilespmem:s15+$0x0 ss:$0x81] =	vst.msk $0xffff, v1;
	s13 =	sor.u32 $0x400, s13;
	s12 =	sadd.s32 s16, s12  }
0x13: {  	[hbm4b:s12+s13] =	stream.strided.scatter [tilespmem:s14], [sflag:$0x2], $0x2000, s8, s13, $0x20;
	[tilespmem:$0x8080] =	vst v63  }
.LBB1_5:
0x14: {  	s14 =	sadd.s32 $0x1, s9  }
0x15: {  	s12 =	sadd.s32 $0x1000, s10;
	s16 =	smov.u32 s10;
	p2 =	sgt.s32 s14, $0xC7  }
0x16: {  	s16 =	smov.u32 @p2 s12  }
0x17: {  	s14 =	simm.s32 @p2 $0x0;
	p2 =	sgt.s32 s16, $0xFFF  }
0x18: {  	s16 =	smov.u32 @p2 s2;
	p2 =	sne.s32 s11, s7  }
.Ltmp1:
0x19: {  	p1 =	slt.u32 s11, $0x2;
	(pc) =	sbr.rel @!p2 .LBB1_6-.Ltmp1, $4  }
0x1a: {  	s15 =	simm.s32 @!p1 $0x2  }
0x1b: {  	s13 =	smov.u32 s10;
	p0 =	por !p0, !p0;
	_ =	swait.ge @!p1 [sflag:s15], $0x2000  }
0x1c: {  	s12 =	smov.u32 s9;
	[sflag:s15] =	ssyncset.done @!p1 $0x0;
	s9 =	smov.u32 s14  }
0x1d: {  	s11 =	sadd.s32 $0x1, s11;
	[sflag:s15] =	ssyncadd.s32 @!p1 $0xFFFFE000;
	s10 =	smov.u32 s16  }
.LBB1_1:
0x1e: {  	p1 =	sge.u32 s11, s5  }
0x1f: {  	s14 =	sand.u32 @!p1 $0x1FFFFFF, s9  }
0x20: {  	s15 =	smulhi.u32 @!p1 $0x147AE15, s14;
	_ =	sdelay $0x1  }
0x21: {  	s15 =	smul.u32 @!p1 $0xC8, s15  }
0x22: {  	s16 =	sxor.u32 @!p1 $0xFFFFFFFF, s11;
	s17 =	smul.u32 @!p1 $0xC80, s10  }
0x23: {  	s31 =	sadd.s32 $0xFFFFFFFF, s11;
	s16 =	sshll.u32 @!p1 s16, $0xD;
	s14 =	ssub.s32 @!p1 s14, s15  }
0x24: {  	s15 =	sand.u32 @!p1 $0x2000, s16;
	s16 =	sadd.s32 @!p1 s6, s17;
	s14 =	sshll.u32 @!p1 s14, $0x4  }
0x25: {  	s17 =	simm.s32 @!p1 $0x6400;
	s14 =	sadd.s32 @!p1 s14, s16;
	s16 =	simm.s32 @!p1 $0x40  }
0x26: {  	[tilespmem:s15], [sflag:$0x1] =	stream.strided.gather @!p1 [hbm4b:s14+s16], $0x2000, s17, s16, $0x38;
	[tilespmem:$0x8080] =	vst v63  }
0x27: {  	p1 =	sge.u32 s31, s5  }
.Ltmp2:
0x28: {  	_ = 	snop;
	(pc) =	sbr.rel @p1 .LBB1_5-.Ltmp2, $1  }
0x29: {  	_ =	sdelay $0x3  }
0x2a: {  	s14 =	simm.s32 $0x1  }
0x2b: {  	_ =	swait.ge [sflag:s4], $0x2000;
	s14 =	simm.s32 @!p0 $0x0  }
0x2c: {  	[sflag:s4] =	ssyncset.done $0x0;
	s15 =	sshll.u32 s14, $0xD  }
0x2d: {  	[sflag:s4] =	ssyncadd.s32 $0xFFFFE000;
	s18 =	sor.u32 $0x20, s15  }
0x2e: {  	s14 =	smul.u32 $0x8100, s14;
	v3 =	vld [tilespmem:s18+$0x10]  }
0x2f: {  	s30 =	sand.u32 $0x1, s11;
	v2 =	vld [tilespmem:s18+$0xFFFFFFF0]  }
0x30: {  	s15 =	smul.u32 $0x8100, s30;
	s14 =	sshrl.u32 s14, $0x2;
	v0 =	vld [tilespmem:s18+$0x0]  }
0x31: {  	v1 =	vld [tilespmem:s18+$0xFFFFFFE0];
	s16 =	sor.u32 $0x4000, s14  }
0x32: {  	s31 =	sshrl.u32 s15, $0x2;
	s15 =	sadd.s32 $0x0, s16  }
0x33: {  	s17 =	simm.s32 $0x4;
	s18 =	sadd.s32 $0x40, s18;
	s14 =	sor.u32 $0x4000, s31;
	[tilespmem:s15+$0x1830 ss:$0x81] =	vst.msk $0xffff, v3  }
.LBB1_3:
0x34: {  	v3 =	vld [tilespmem:s18+$0x10];
	p1 =	sne.s32 s17, $0x1FC;
	[tilespmem:s15+$0x810 ss:$0x81] =	vst.msk $0xffff, v2;
	s19 =	smov.u32 s17;
	s17 =	sadd.s32 $0x4, s17  }
.Ltmp3:
0x35: {  	v2 =	vld [tilespmem:s18+$0xFFFFFFF0];
	[tilespmem:s15+$0x1020 ss:$0x81] =	vst.msk $0xffff, v0;
	(pc) =	sbr.rel @p1 .LBB1_3-.Ltmp3, $4  }
0x36: {  	v0 =	vld [tilespmem:s18+$0x0];
	[tilespmem:s15+$0x0 ss:$0x81] =	vst.msk $0xffff, v1  }
0x37: {  	s15 =	sshra.s32 s19, $0x2;
	v1 =	vld [tilespmem:s18+$0xFFFFFFE0]  }
0x38: {  	s15 =	sadd.s32 s15, s16  }
0x39: {  	s18 =	sadd.s32 $0x40, s18;
	[tilespmem:s15+$0x1830 ss:$0x81] =	vst.msk $0xffff, v3  }
.Ltmp4:
0x3a: {  	_ = 	snop;
	(pc) =	sbr.rel .LBB1_4-.Ltmp4, $1  }
0x3b: {  	_ =	sdelay $0x3  }
.LBB1_6:
0x3c: {  	_ =	sfence.sel $0x180000  }
0x3d: {  	s2 =	simm.s32 $0x1;
	[bflag:$0x0] =	sbarrier.arrive $0xFFFF  }
0x3e: {  	s31 =	simm.s32 $0x2;
	[sflag:s2] =	ssyncpa.u1 $0x1  }
0x3f: {  	[sflag:s31] =	ssyncpa.u1 $0x1  }
0x40: {  	p0 =	sne.s32 s0, $0x0;
	_ =	strace $0x9000004A  }
0x41: {  	s0 =	sadd.s32 @!p0 $0x100000, s1;
	[bflag:$0x2] =	sbarrier.arrive $0xFFFF  }
0x42: {  	[sflag:s0] =	ssyncadd.tile.s32 @!p0 $0x1;
	_ =	shalt  }
.Lfunc_end1:
_tile_overlayer_lowered:
.L_overlay_start_2:
0x43: {  	(tag) =	ssettag $0x2  }
0x44: {  	s0 =	rddreg [dreg:$0x0];
	s2 =	stileid.u32  }
0x45: {  	s1 =	rddreg [dreg:$0x1];
	p0 =	sne.s32 s2, $0x0  }
0x46: {  	s3 =	rddreg [dreg:$0x2];
	[bflag:$0x3] =	sbarrier.arrive $0xFFFF;
	s2 =	simm.s32 @!p0 $0x1C01  }
0x47: {  	[timem:s3], [sflag:s2] =	dma.local @!p0 [hbm:s0], s1  }
0x48: {  	s0 =	simm.s32 @!p0 $0x1  }
0x49: {  	_ =	swait.ge @!p0 [sflag:s0], s1  }
0x4a: {  	s1 =	ssub.s32 @!p0 $0x0, s1;
	[sflag:s0] =	ssyncset.done @!p0 $0x0  }
0x4b: {  	[sflag:s0] =	ssyncadd.s32 @!p0 s1  }
0x4c: {  	[bflag:$0x3] =	sbarrier.arrive $0xFFFF  }
0x4d: {  	_ =	shalt  }

</sc_bundles>
